<compile_context>
chip_gen: v7x
topology: tpu7x:2x2x1
jax: 0.10.2.dev20260603
libtpu: 0.0.44.dev20260713+nightly
codegen_flags: <defaults>
</compile_context>

<pallas_src>
import jax
import jax.numpy as jnp
from jax import lax
from jax.experimental import pallas as pl
from jax.experimental.pallas import tpu as pltpu
from jax.experimental.pallas import tpu_sc as plsc

N = 10000
E = 320000
F_IN = 128
H = 64
C = 10
G = 16

NC = 2
NS = 16
NW = NC * NS
ET = E // NW
K = 112
EP = 329728
ETP = EP // NW
STEPS = ETP // K
NP = 10240
RPT = NP // NS

_mesh = plsc.VectorSubcoreMesh(core_axis_name="c", subcore_axis_name="s")


def _deg_body(dst_hbm, zeros_hbm, out_hbm, idx_v, hist_v):
    cid = lax.axis_index("c")
    sid = lax.axis_index("s")
    wid = cid * NS + sid
    pltpu.sync_copy(zeros_hbm, hist_v)
    pltpu.sync_copy(dst_hbm.at[pl.ds(pl.multiple_of(wid * ET, 8), ET)], idx_v)
    ones16 = jnp.ones((16,), jnp.float32)

    def step(i, carry):
        idx16 = idx_v[pl.ds(i * 16, 16)]
        plsc.addupdate_scatter(hist_v, [idx16], ones16)
        return carry

    lax.fori_loop(0, ET // 16, step, 0)
    pltpu.sync_copy(hist_v, out_hbm.at[pl.ds(pl.multiple_of(wid * N, 8), N)])


_deg_call = pl.kernel(
    _deg_body,
    out_type=jax.ShapeDtypeStruct((NW * N,), jnp.float32),
    mesh=_mesh,
    scratch_types=[
        pltpu.VMEM((ET,), jnp.int32),
        pltpu.VMEM((N,), jnp.float32),
    ],
    compiler_params=pltpu.CompilerParams(needs_layout_passes=False),
)


HP = 128


def _scat_body(u_hbm, src_hbm, dst_hbm, zeros_hbm, out_hbm,
               six0, six1, dix0, dix1, rows0, rows1, acc_sh,
               sem_g0, sem_g1, sem_i0, sem_i1):
    cid = lax.axis_index("c")
    sid = lax.axis_index("s")
    wid = cid * NS + sid
    pltpu.sync_copy(zeros_hbm.at[pl.ds(pl.multiple_of(sid * RPT, 8), RPT)],
                    acc_sh.at[pl.ds(pl.multiple_of(sid * RPT, 8), RPT)])
    plsc.subcore_barrier()

    six = (six0, six1)
    dix = (dix0, dix1)
    rows = (rows0, rows1)
    sem_g = (sem_g0, sem_g1)
    sem_i = (sem_i0, sem_i1)
    base = pl.multiple_of(wid * ETP, 8)

    pltpu.sync_copy(src_hbm.at[pl.ds(base, K)], six0)
    pltpu.sync_copy(dst_hbm.at[pl.ds(base, K)], dix0)
    pltpu.async_copy(u_hbm.at[six0], rows0, sem_g0)
    pltpu.async_copy(src_hbm.at[pl.ds(pl.multiple_of(base + K, 8), K)],
                     six1, sem_i1)
    pltpu.async_copy(dst_hbm.at[pl.ds(pl.multiple_of(base + K, 8), K)],
                     dix1, sem_i1)

    def pair(q, carry):
        for b in range(2):
            i = q * 2 + b
            ob = 1 - b

            @pl.when(i + 1 < STEPS)
            def _():
                pltpu.make_async_copy(src_hbm.at[pl.ds(0, K)], six[ob],
                                      sem_i[ob]).wait()
                pltpu.make_async_copy(dst_hbm.at[pl.ds(0, K)], dix[ob],
                                      sem_i[ob]).wait()

            pltpu.make_async_copy(u_hbm.at[pl.ds(0, K)], rows[b],
                                  sem_g[b]).wait()

            @pl.when(i + 1 < STEPS)
            def _():
                pltpu.async_copy(u_hbm.at[six[ob]], rows[ob], sem_g[ob])

            pltpu.sync_copy(rows[b], acc_sh.at[dix[b]], add=True)

            @pl.when(i + 2 < STEPS)
            def _():
                off = pl.multiple_of(base + (i + 2) * K, 8)
                pltpu.async_copy(src_hbm.at[pl.ds(off, K)], six[b], sem_i[b])
                pltpu.async_copy(dst_hbm.at[pl.ds(off, K)], dix[b], sem_i[b])
        return carry

    lax.fori_loop(0, STEPS // 2, pair, 0)
    plsc.subcore_barrier()
    pltpu.sync_copy(acc_sh.at[pl.ds(pl.multiple_of(sid * RPT, 8), RPT)],
                    out_hbm.at[pl.ds(pl.multiple_of(cid * NP + sid * RPT, 8), RPT)])


_scat_call = pl.kernel(
    _scat_body,
    out_type=jax.ShapeDtypeStruct((2 * NP, HP), jnp.float32),
    mesh=_mesh,
    scratch_types=[
        pltpu.VMEM((K,), jnp.int32),
        pltpu.VMEM((K,), jnp.int32),
        pltpu.VMEM((K,), jnp.int32),
        pltpu.VMEM((K,), jnp.int32),
        pltpu.VMEM((K, HP), jnp.float32),
        pltpu.VMEM((K, HP), jnp.float32),
        pltpu.VMEM_SHARED((NP, HP), jnp.float32),
        pltpu.SemaphoreType.DMA,
        pltpu.SemaphoreType.DMA,
        pltpu.SemaphoreType.DMA,
        pltpu.SemaphoreType.DMA,
    ],
)


def _tc_prep_body(degp_ref, x_ref, w1_ref, u1_ref, d_ref):
    deg = jnp.sum(degp_ref[...], axis=1, keepdims=True) + 1.0
    d = lax.rsqrt(deg)
    h = jnp.dot(x_ref[...], w1_ref[...], preferred_element_type=jnp.float32)
    u1_ref[:, 0:H] = h * d
    u1_ref[:, H:HP] = jnp.zeros((N, HP - H), jnp.float32)
    d_ref[...] = d


def _tc_mid_body(sp_ref, u_ref, d_ref, b_ref, w2_ref, u2_ref):
    d = d_ref[...]
    s = (sp_ref[0:N, 0:H] + sp_ref[NP:NP + N, 0:H] + u_ref[0:N, 0:H])
    h = jnp.maximum(d * s + b_ref[...], 0.0)
    u2_ref[:, 0:H] = jnp.dot(h, w2_ref[...],
                             preferred_element_type=jnp.float32) * d
    u2_ref[:, H:HP] = jnp.zeros((N, HP - H), jnp.float32)


def _tc_final_body(sp_ref, u_ref, d_ref, b_ref, batch_ref, wl_ref, bl_ref,
                   out_ref):
    d = d_ref[...]
    s = (sp_ref[0:N, 0:H] + sp_ref[NP:NP + N, 0:H] + u_ref[0:N, 0:H])
    h = jnp.maximum(d * s + b_ref[...], 0.0)
    gids = lax.broadcasted_iota(jnp.int32, (1, G), 1)
    onehot = (batch_ref[...] == gids).astype(jnp.float32)
    sums = lax.dot_general(onehot, h, (((0,), (0,)), ((), ())),
                           preferred_element_type=jnp.float32)
    counts = jnp.sum(onehot, axis=0, keepdims=True)
    pooled = sums / jnp.maximum(counts, 1.0).reshape(G, 1)
    out_ref[...] = jnp.dot(pooled, wl_ref[...],
                           preferred_element_type=jnp.float32) + bl_ref[...]


def _tc_call(body, out_shape, n_in):
    return pl.pallas_call(
        body,
        out_shape=out_shape,
        in_specs=[pl.BlockSpec(memory_space=pltpu.VMEM)] * n_in,
        out_specs=(pl.BlockSpec(memory_space=pltpu.VMEM)
                   if not isinstance(out_shape, (list, tuple))
                   else [pl.BlockSpec(memory_space=pltpu.VMEM)] * len(out_shape)),
    )


_prep = _tc_call(_tc_prep_body,
                 [jax.ShapeDtypeStruct((N, HP), jnp.float32),
                  jax.ShapeDtypeStruct((N, 1), jnp.float32)], 3)
_mid = _tc_call(_tc_mid_body, jax.ShapeDtypeStruct((N, HP), jnp.float32), 5)
_final = _tc_call(_tc_final_body, jax.ShapeDtypeStruct((G, C), jnp.float32), 7)


@jax.jit
def kernel(x, edge_index, batch, W1, b1, W2, b2, Wl, bl):
    src = edge_index[0].astype(jnp.int32)
    dst = edge_index[1].astype(jnp.int32)
    npad = EP - E
    pad_iota = jnp.arange(npad, dtype=jnp.int32)
    src_p = jnp.concatenate([src, (pad_iota * 1237) % N])
    dst_p = jnp.concatenate([dst, N + pad_iota % (NP - N)])

    zeros_nh = jnp.zeros((NP, HP), jnp.float32)
    zeros_n = jnp.zeros((N,), jnp.float32)

    deg_parts = _deg_call(dst, zeros_n).reshape(NW, N).T
    u1, d = _prep(deg_parts, x, W1)
    s1 = _scat_call(u1, src_p, dst_p, zeros_nh)
    u2 = _mid(s1, u1, d, b1.reshape(1, H), W2)
    s2 = _scat_call(u2, src_p, dst_p, zeros_nh)
    return _final(s2, u2, d, b2.reshape(1, H),
                  batch.astype(jnp.int32).reshape(N, 1), Wl,
                  bl.reshape(1, C))

# --- scband reference (transcript-rebuilt; emitter-appended) ---
"""Pipeline reference for scband-gcn-simple-53575422050307 (READ-ONLY COPY).

The authoritative reference and input builder live on the scoring server;
editing this copy changes nothing except your own understanding.
"""

import jax, jax.numpy as jnp
import numpy as np

N = 10000
E = 320000
F_IN = 128
H = 64
C = 10
G = 16


def gcn_conv(x, src, dst, W, b, num_nodes):
    # PyG GCNConv: add self-loops, symmetric normalization, linear transform, scatter-add
    loop = jnp.arange(num_nodes, dtype=src.dtype)
    src_full = jnp.concatenate([src, loop])
    dst_full = jnp.concatenate([dst, loop])
    deg = jnp.zeros((num_nodes,), dtype=x.dtype).at[dst_full].add(1.0)
    deg_inv_sqrt = jnp.where(deg > 0, deg ** -0.5, 0.0)
    norm = deg_inv_sqrt[src_full] * deg_inv_sqrt[dst_full]
    h = x @ W
    msg = h[src_full] * norm[:, None]
    out = jnp.zeros((num_nodes, W.shape[1]), dtype=x.dtype).at[dst_full].add(msg)
    return out + b


def global_mean_pool(x, batch, num_graphs):
    sums = jax.ops.segment_sum(x, batch, num_segments=num_graphs)
    counts = jax.ops.segment_sum(jnp.ones((x.shape[0],), dtype=x.dtype), batch, num_segments=num_graphs)
    counts = jnp.maximum(counts, 1.0)
    return sums / counts[:, None]


def setup_inputs(seed: int = 0) -> dict:
    key = jax.random.key(seed)
    ks = jax.random.split(key, 9)
    x = jax.random.normal(ks[0], (N, F_IN), dtype=jnp.float32)
    edge_index = jax.random.randint(ks[1], (2, E), 0, N)
    batch = jnp.sort(jax.random.randint(ks[2], (N,), 0, G))
    W1 = jax.random.normal(ks[3], (F_IN, H), dtype=jnp.float32) * 0.05
    b1 = jnp.zeros((H,), dtype=jnp.float32)
    W2 = jax.random.normal(ks[4], (H, H), dtype=jnp.float32) * 0.05
    b2 = jnp.zeros((H,), dtype=jnp.float32)
    Wl = jax.random.normal(ks[5], (H, C), dtype=jnp.float32) * 0.05
    bl = jnp.zeros((C,), dtype=jnp.float32)
    return {"x": x, "edge_index": edge_index, "batch": batch, "W1": W1, "b1": b1, "W2": W2, "b2": b2, "Wl": Wl, "bl": bl}


def reference(x, edge_index, batch, W1, b1, W2, b2, Wl, bl):
    src, dst = edge_index[0], edge_index[1]
    h = jax.nn.relu(gcn_conv(x, src, dst, W1, b1, N))
    h = jax.nn.relu(gcn_conv(h, src, dst, W2, b2, N))
    pooled = global_mean_pool(h, batch, G)
    return pooled @ Wl + bl

if __name__ == "__main__":
    import jax
    _d = setup_inputs()
    print(jax.jit(kernel)(*tuple(_d.values())))

</pallas_src>

<mosaic_0001>
#map = affine_map<(d0, d1) -> (0)>
module attributes {stable_mosaic.version = 14 : i64} {
  func.func @_deg_body(%arg0: i32, %arg1: i32, %arg2: memref<320000xi32, #tpu.memory_space<hbm>>, %arg3: memref<10000xf32, #tpu.memory_space<hbm>>, %arg4: memref<320000xf32, #tpu.memory_space<hbm>>, %arg5: memref<10000xi32, #tpu.memory_space<vmem>>, %arg6: memref<10000xf32, #tpu.memory_space<vmem>>) attributes {dimension_semantics = [#tpu.dimension_semantics<core_parallel>, #tpu.dimension_semantics<subcore_parallel>], iteration_bounds = array<i64: 2, 16>, scalar_prefetch = 0 : i64, scratch_operands = 2 : i64, tpu.core_type = #tpu.core_type<sc_vector_subcore>, window_params = [{transform_indices = #map}, {transform_indices = #map}, {transform_indices = #map}]} {
    %mul3A = arith.constant 16 : i32
    %mul3A_0 = arith.muli %arg0, %mul3A : i32
    %add3A = arith.addi %mul3A_0, %arg1 : i32
    "tpu.region"() ({
      %run_scoped3A = tpu.sem_alloc : memref<!tpu.dma_semaphore, #tpu.memory_space<semaphore_mem>>
      tpu.enqueue_dma source(%arg3 : memref<10000xf32, #tpu.memory_space<hbm>>) target(%arg6 : memref<10000xf32, #tpu.memory_space<vmem>>) target_semaphore(%run_scoped3A : memref<!tpu.dma_semaphore, #tpu.memory_space<semaphore_mem>>)
      tpu.wait_dma2 semaphore(%run_scoped3A : memref<!tpu.dma_semaphore, #tpu.memory_space<semaphore_mem>>) src(%arg3 : memref<10000xf32, #tpu.memory_space<hbm>>) dst(%arg6 : memref<10000xf32, #tpu.memory_space<vmem>>)
      tpu.yield
    }) : () -> ()
    %mul3A_1 = arith.constant 10000 : i32
    %mul3A_2 = arith.muli %add3A, %mul3A_1 : i32
    %multiple_of3A = tpu.assume_multiple %mul3A_2, 8 : i32
    "tpu.region"() ({
      %run_scoped3A = tpu.sem_alloc : memref<!tpu.dma_semaphore, #tpu.memory_space<semaphore_mem>>
      %dma_start3A = tpu.memref_slice %arg2[%multiple_of3A] : memref<320000xi32, #tpu.memory_space<hbm>> -> memref<10000xi32, #tpu.memory_space<hbm>>
      %dma_start3A_12 = tpu.memref_slice %arg2[%multiple_of3A] : memref<320000xi32, #tpu.memory_space<hbm>> -> memref<10000xi32, #tpu.memory_space<hbm>>
      tpu.enqueue_dma source(%dma_start3A_12 : memref<10000xi32, #tpu.memory_space<hbm>>) target(%arg5 : memref<10000xi32, #tpu.memory_space<vmem>>) target_semaphore(%run_scoped3A : memref<!tpu.dma_semaphore, #tpu.memory_space<semaphore_mem>>)
      %dma_wait3A = tpu.memref_slice %arg2[%multiple_of3A] : memref<320000xi32, #tpu.memory_space<hbm>> -> memref<10000xi32, #tpu.memory_space<hbm>>
      %dma_wait3A_13 = tpu.memref_slice %arg2[%multiple_of3A] : memref<320000xi32, #tpu.memory_space<hbm>> -> memref<10000xi32, #tpu.memory_space<hbm>>
      tpu.wait_dma2 semaphore(%run_scoped3A : memref<!tpu.dma_semaphore, #tpu.memory_space<semaphore_mem>>) src(%dma_wait3A_13 : memref<10000xi32, #tpu.memory_space<hbm>>) dst(%arg5 : memref<10000xi32, #tpu.memory_space<vmem>>)
      tpu.yield
    }) : () -> ()
    %broadcast_in_dim3A = arith.constant 1.000000e+00 : f32
    %broadcast_in_dim3A_3 = vector.broadcast %broadcast_in_dim3A : f32 to vector<16xf32>
    %scan3A = arith.constant 0 : i32
    %scan3A_4 = arith.constant 0 : i32
    %scan3A_5 = arith.constant 625 : i32
    %scan3A_6 = arith.addi %scan3A_4, %scan3A_5 : i32
    %scan3A_7 = arith.constant 1 : i32
    scf.for %scan3A_12 = %scan3A_4 to %scan3A_6 step %scan3A_7  : i32 {
      %mul3A_13 = arith.constant 16 : i32
      %mul3A_14 = arith.muli %scan3A_12, %mul3A_13 : i32
      %get3A = arith.index_cast %mul3A_14 : i32 to index
      %get3A_15 = tpu.vector_load %arg5[%get3A] {strides = array<i32>} : memref<10000xi32, #tpu.memory_space<vmem>>, vector<16xi32>,
      tpu.vector_store_idx %arg6[%get3A_15], %broadcast_in_dim3A_3 {add = true} : memref<10000xf32, #tpu.memory_space<vmem>>[vector<16xi32>], vector<16xf32>,
    }
    %scan3A_8 = arith.constant 625 : i32
    %mul3A_9 = arith.constant 10000 : i32
    %mul3A_10 = arith.muli %add3A, %mul3A_9 : i32
    %multiple_of3A_11 = tpu.assume_multiple %mul3A_10, 8 : i32
    "tpu.region"() ({
      %run_scoped3A = tpu.sem_alloc : memref<!tpu.dma_semaphore, #tpu.memory_space<semaphore_mem>>
      %dma_start3A = tpu.memref_slice %arg4[%multiple_of3A_11] : memref<320000xf32, #tpu.memory_space<hbm>> -> memref<10000xf32, #tpu.memory_space<hbm>>
      %dma_start3A_12 = tpu.memref_slice %arg4[%multiple_of3A_11] : memref<320000xf32, #tpu.memory_space<hbm>> -> memref<10000xf32, #tpu.memory_space<hbm>>
      tpu.enqueue_dma source(%arg6 : memref<10000xf32, #tpu.memory_space<vmem>>) target(%dma_start3A_12 : memref<10000xf32, #tpu.memory_space<hbm>>) target_semaphore(%run_scoped3A : memref<!tpu.dma_semaphore, #tpu.memory_space<semaphore_mem>>)
      %dma_wait3A = tpu.memref_slice %arg4[%multiple_of3A_11] : memref<320000xf32, #tpu.memory_space<hbm>> -> memref<10000xf32, #tpu.memory_space<hbm>>
      %dma_wait3A_13 = tpu.memref_slice %arg4[%multiple_of3A_11] : memref<320000xf32, #tpu.memory_space<hbm>> -> memref<10000xf32, #tpu.memory_space<hbm>>
      tpu.wait_dma2 semaphore(%run_scoped3A : memref<!tpu.dma_semaphore, #tpu.memory_space<semaphore_mem>>) src(%arg6 : memref<10000xf32, #tpu.memory_space<vmem>>) dst(%dma_wait3A_13 : memref<10000xf32, #tpu.memory_space<hbm>>)
      tpu.yield
    }) : () -> ()
    return
  }
}

#map = affine_map<(d0, d1) -> (0, 0)>
#map1 = affine_map<(d0, d1) -> (0)>
module attributes {stable_mosaic.version = 14 : i64} {
  func.func @_scat_body(%arg0: i32, %arg1: i32, %arg2: memref<10000x128xf32, #tpu.memory_space<hbm>>, %arg3: memref<329728xi32, #tpu.memory_space<hbm>>, %arg4: memref<329728xi32, #tpu.memory_space<hbm>>, %arg5: memref<10240x128xf32, #tpu.memory_space<hbm>>, %arg6: memref<20480x128xf32, #tpu.memory_space<hbm>>, %arg7: memref<112xi32, #tpu.memory_space<vmem>>, %arg8: memref<112xi32, #tpu.memory_space<vmem>>, %arg9: memref<112xi32, #tpu.memory_space<vmem>>, %arg10: memref<112xi32, #tpu.memory_space<vmem>>, %arg11: memref<112x128xf32, #tpu.memory_space<vmem>>, %arg12: memref<112x128xf32, #tpu.memory_space<vmem>>, %arg13: memref<10240x128xf32, #tpu.memory_space<vmem_shared>>, %arg14: memref<!tpu.dma_semaphore, #tpu.memory_space<semaphore_mem>>, %arg15: memref<!tpu.dma_semaphore, #tpu.memory_space<semaphore_mem>>, %arg16: memref<!tpu.dma_semaphore, #tpu.memory_space<semaphore_mem>>, %arg17: memref<!tpu.dma_semaphore, #tpu.memory_space<semaphore_mem>>) attributes {dimension_semantics = [#tpu.dimension_semantics<core_parallel>, #tpu.dimension_semantics<subcore_parallel>], iteration_bounds = array<i64: 2, 16>, scalar_prefetch = 0 : i64, scratch_operands = 11 : i64, tpu.core_type = #tpu.core_type<sc_vector_subcore>, window_params = [{transform_indices = #map}, {transform_indices = #map1}, {transform_indices = #map1}, {transform_indices = #map}, {transform_indices = #map}]} {
    %mul3A = arith.constant 16 : i32
    %mul3A_0 = arith.muli %arg0, %mul3A : i32
    %add3A = arith.addi %mul3A_0, %arg1 : i32
    %mul3A_1 = arith.constant 640 : i32
    %mul3A_2 = arith.muli %arg1, %mul3A_1 : i32
    %multiple_of3A = tpu.assume_multiple %mul3A_2, 8 : i32
    %mul3A_3 = arith.constant 640 : i32
    %mul3A_4 = arith.muli %arg1, %mul3A_3 : i32
    %multiple_of3A_5 = tpu.assume_multiple %mul3A_4, 8 : i32
    "tpu.region"() ({
      %run_scoped3A = tpu.sem_alloc : memref<!tpu.dma_semaphore, #tpu.memory_space<semaphore_mem>>
      %dma_start3A_36 = arith.constant 0 : i32
      %dma_start3A_37 = tpu.memref_slice %arg13[%multiple_of3A_5, %dma_start3A_36] : memref<10240x128xf32, #tpu.memory_space<vmem_shared>> -> memref<640x128xf32, #tpu.memory_space<vmem_shared>>
      %dma_start3A_38 = arith.constant 0 : i32
      %dma_start3A_39 = tpu.memref_slice %arg5[%multiple_of3A, %dma_start3A_38] : memref<10240x128xf32, #tpu.memory_space<hbm>> -> memref<640x128xf32, #tpu.memory_space<hbm>>
      tpu.enqueue_dma source(%dma_start3A_39 : memref<640x128xf32, #tpu.memory_space<hbm>>) target(%dma_start3A_37 : memref<640x128xf32, #tpu.memory_space<vmem_shared>>) target_semaphore(%run_scoped3A : memref<!tpu.dma_semaphore, #tpu.memory_space<semaphore_mem>>)
      %dma_wait3A = arith.constant 0 : i32
      %dma_wait3A_40 = tpu.memref_slice %arg13[%multiple_of3A_5, %dma_wait3A] : memref<10240x128xf32, #tpu.memory_space<vmem_shared>> -> memref<640x128xf32, #tpu.memory_space<vmem_shared>>
      %dma_wait3A_41 = arith.constant 0 : i32
      %dma_wait3A_42 = tpu.memref_slice %arg5[%multiple_of3A, %dma_wait3A_41] : memref<10240x128xf32, #tpu.memory_space<hbm>> -> memref<640x128xf32, #tpu.memory_space<hbm>>
      tpu.wait_dma2 semaphore(%run_scoped3A : memref<!tpu.dma_semaphore, #tpu.memory_space<semaphore_mem>>) src(%dma_wait3A_42 : memref<640x128xf32, #tpu.memory_space<hbm>>) dst(%dma_wait3A_40 : memref<640x128xf32, #tpu.memory_space<vmem_shared>>)
      tpu.yield
    }) : () -> ()
    %barrier3A = arith.constant 0 : index
    tpu.barrier barrier_id(%barrier3A)
    %mul3A_6 = arith.constant 10304 : i32
    %mul3A_7 = arith.muli %add3A, %mul3A_6 : i32
    %multiple_of3A_8 = tpu.assume_multiple %mul3A_7, 8 : i32
    "tpu.region"() ({
      %run_scoped3A = tpu.sem_alloc : memref<!tpu.dma_semaphore, #tpu.memory_space<semaphore_mem>>
      %dma_start3A_36 = tpu.memref_slice %arg3[%multiple_of3A_8] : memref<329728xi32, #tpu.memory_space<hbm>> -> memref<112xi32, #tpu.memory_space<hbm>>
      %dma_start3A_37 = tpu.memref_slice %arg3[%multiple_of3A_8] : memref<329728xi32, #tpu.memory_space<hbm>> -> memref<112xi32, #tpu.memory_space<hbm>>
      tpu.enqueue_dma source(%dma_start3A_37 : memref<112xi32, #tpu.memory_space<hbm>>) target(%arg7 : memref<112xi32, #tpu.memory_space<vmem>>) target_semaphore(%run_scoped3A : memref<!tpu.dma_semaphore, #tpu.memory_space<semaphore_mem>>)
      %dma_wait3A = tpu.memref_slice %arg3[%multiple_of3A_8] : memref<329728xi32, #tpu.memory_space<hbm>> -> memref<112xi32, #tpu.memory_space<hbm>>
      %dma_wait3A_38 = tpu.memref_slice %arg3[%multiple_of3A_8] : memref<329728xi32, #tpu.memory_space<hbm>> -> memref<112xi32, #tpu.memory_space<hbm>>
      tpu.wait_dma2 semaphore(%run_scoped3A : memref<!tpu.dma_semaphore, #tpu.memory_space<semaphore_mem>>) src(%dma_wait3A_38 : memref<112xi32, #tpu.memory_space<hbm>>) dst(%arg7 : memref<112xi32, #tpu.memory_space<vmem>>)
      tpu.yield
    }) : () -> ()
    "tpu.region"() ({
      %run_scoped3A = tpu.sem_alloc : memref<!tpu.dma_semaphore, #tpu.memory_space<semaphore_mem>>
      %dma_start3A_36 = tpu.memref_slice %arg4[%multiple_of3A_8] : memref<329728xi32, #tpu.memory_space<hbm>> -> memref<112xi32, #tpu.memory_space<hbm>>
      %dma_start3A_37 = tpu.memref_slice %arg4[%multiple_of3A_8] : memref<329728xi32, #tpu.memory_space<hbm>> -> memref<112xi32, #tpu.memory_space<hbm>>
      tpu.enqueue_dma source(%dma_start3A_37 : memref<112xi32, #tpu.memory_space<hbm>>) target(%arg9 : memref<112xi32, #tpu.memory_space<vmem>>) target_semaphore(%run_scoped3A : memref<!tpu.dma_semaphore, #tpu.memory_space<semaphore_mem>>)
      %dma_wait3A = tpu.memref_slice %arg4[%multiple_of3A_8] : memref<329728xi32, #tpu.memory_space<hbm>> -> memref<112xi32, #tpu.memory_space<hbm>>
      %dma_wait3A_38 = tpu.memref_slice %arg4[%multiple_of3A_8] : memref<329728xi32, #tpu.memory_space<hbm>> -> memref<112xi32, #tpu.memory_space<hbm>>
      tpu.wait_dma2 semaphore(%run_scoped3A : memref<!tpu.dma_semaphore, #tpu.memory_space<semaphore_mem>>) src(%dma_wait3A_38 : memref<112xi32, #tpu.memory_space<hbm>>) dst(%arg9 : memref<112xi32, #tpu.memory_space<vmem>>)
      tpu.yield
    }) : () -> ()
    %dma_start3A = arith.constant 0 : i32
    %dma_start3A_9 = arith.constant 0 : i32
    %dma_start3A_10 = tpu.memref_slice %arg2[%dma_start3A, %dma_start3A_9] : memref<10000x128xf32, #tpu.memory_space<hbm>> -> memref<10000x128xf32, #tpu.memory_space<hbm>>
    tpu.enqueue_indirect_dma source(%dma_start3A_10 : memref<10000x128xf32, #tpu.memory_space<hbm>>) target(%arg11 : memref<112x128xf32, #tpu.memory_space<vmem>>) offsets(%arg7 : memref<112xi32, #tpu.memory_space<vmem>>) semaphore(%arg14 : memref<!tpu.dma_semaphore, #tpu.memory_space<semaphore_mem>>)
    %add3A_11 = arith.constant 112 : i32
    %add3A_12 = arith.addi %multiple_of3A_8, %add3A_11 : i32
    %multiple_of3A_13 = tpu.assume_multiple %add3A_12, 8 : i32
    %dma_start3A_14 = tpu.memref_slice %arg3[%multiple_of3A_13] : memref<329728xi32, #tpu.memory_space<hbm>> -> memref<112xi32, #tpu.memory_space<hbm>>
    %dma_start3A_15 = tpu.memref_slice %arg3[%multiple_of3A_13] : memref<329728xi32, #tpu.memory_space<hbm>> -> memref<112xi32, #tpu.memory_space<hbm>>
    tpu.enqueue_dma source(%dma_start3A_15 : memref<112xi32, #tpu.memory_space<hbm>>) target(%arg8 : memref<112xi32, #tpu.memory_space<vmem>>) target_semaphore(%arg17 : memref<!tpu.dma_semaphore, #tpu.memory_space<semaphore_mem>>)
    %add3A_16 = arith.constant 112 : i32
    %add3A_17 = arith.addi %multiple_of3A_8, %add3A_16 : i32
    %multiple_of3A_18 = tpu.assume_multiple %add3A_17, 8 : i32
    %dma_start3A_19 = tpu.memref_slice %arg4[%multiple_of3A_18] : memref<329728xi32, #tpu.memory_space<hbm>> -> memref<112xi32, #tpu.memory_space<hbm>>
    %dma_start3A_20 = tpu.memref_slice %arg4[%multiple_of3A_18] : memref<329728xi32, #tpu.memory_space<hbm>> -> memref<112xi32, #tpu.memory_space<hbm>>
    tpu.enqueue_dma source(%dma_start3A_20 : memref<112xi32, #tpu.memory_space<hbm>>) target(%arg10 : memref<112xi32, #tpu.memory_space<vmem>>) target_semaphore(%arg17 : memref<!tpu.dma_semaphore, #tpu.memory_space<semaphore_mem>>)
    %scan3A = arith.constant 0 : i32
    %scan3A_21 = arith.constant 0 : i32
    %scan3A_22 = arith.constant 46 : i32
    %scan3A_23 = arith.addi %scan3A_21, %scan3A_22 : i32
    %scan3A_24 = arith.constant 1 : i32
    scf.for %scan3A_36 = %scan3A_21 to %scan3A_23 step %scan3A_24  : i32 {
      %mul3A_37 = arith.constant 2 : i32
      %mul3A_38 = arith.muli %scan3A_36, %mul3A_37 : i32
      %add3A_39 = arith.constant 0 : i32
      %add3A_40 = arith.addi %mul3A_38, %add3A_39 : i32
      %add3A_41 = arith.constant 1 : i32
      %add3A_42 = arith.addi %add3A_40, %add3A_41 : i32
      %lt3A = arith.constant 92 : i32
      %lt3A_43 = arith.cmpi slt, %add3A_42, %lt3A : i32
      %convert_element_type3A = arith.extui %lt3A_43 : i1 to i32
      %cond3A = arith.constant 0 : i32
      %cond3A_44 = arith.cmpi ne, %convert_element_type3A, %cond3A : i32
      scf.if %cond3A_44 {
        %dma_wait3A_95 = arith.constant 0 : i32
        %dma_wait3A_96 = tpu.memref_slice %arg3[%dma_wait3A_95] : memref<329728xi32, #tpu.memory_space<hbm>> -> memref<112xi32, #tpu.memory_space<hbm>>
        %dma_wait3A_97 = arith.constant 0 : i32
        %dma_wait3A_98 = tpu.memref_slice %arg3[%dma_wait3A_97] : memref<329728xi32, #tpu.memory_space<hbm>> -> memref<112xi32, #tpu.memory_space<hbm>>
        tpu.wait_dma2 semaphore(%arg17 : memref<!tpu.dma_semaphore, #tpu.memory_space<semaphore_mem>>) src(%dma_wait3A_98 : memref<112xi32, #tpu.memory_space<hbm>>) dst(%arg8 : memref<112xi32, #tpu.memory_space<vmem>>)
        %dma_wait3A_99 = arith.constant 0 : i32
        %dma_wait3A_100 = tpu.memref_slice %arg4[%dma_wait3A_99] : memref<329728xi32, #tpu.memory_space<hbm>> -> memref<112xi32, #tpu.memory_space<hbm>>
        %dma_wait3A_101 = arith.constant 0 : i32
        %dma_wait3A_102 = tpu.memref_slice %arg4[%dma_wait3A_101] : memref<329728xi32, #tpu.memory_space<hbm>> -> memref<112xi32, #tpu.memory_space<hbm>>
        tpu.wait_dma2 semaphore(%arg17 : memref<!tpu.dma_semaphore, #tpu.memory_space<semaphore_mem>>) src(%dma_wait3A_102 : memref<112xi32, #tpu.memory_space<hbm>>) dst(%arg10 : memref<112xi32, #tpu.memory_space<vmem>>)
      } else {
      }
      %dma_wait3A = arith.constant 0 : i32
      %dma_wait3A_45 = arith.constant 0 : i32
      %dma_wait3A_46 = tpu.memref_slice %arg2[%dma_wait3A, %dma_wait3A_45] : memref<10000x128xf32, #tpu.memory_space<hbm>> -> memref<112x128xf32, #tpu.memory_space<hbm>>
      %dma_wait3A_47 = arith.constant 0 : i32
      %dma_wait3A_48 = arith.constant 0 : i32
      %dma_wait3A_49 = tpu.memref_slice %arg2[%dma_wait3A_47, %dma_wait3A_48] : memref<10000x128xf32, #tpu.memory_space<hbm>> -> memref<112x128xf32, #tpu.memory_space<hbm>>
      tpu.wait_dma2 semaphore(%arg14 : memref<!tpu.dma_semaphore, #tpu.memory_space<semaphore_mem>>) src(%dma_wait3A_49 : memref<112x128xf32, #tpu.memory_space<hbm>>) dst(%arg11 : memref<112x128xf32, #tpu.memory_space<vmem>>)
      %add3A_50 = arith.constant 1 : i32
      %add3A_51 = arith.addi %add3A_40, %add3A_50 : i32
      %lt3A_52 = arith.constant 92 : i32
      %lt3A_53 = arith.cmpi slt, %add3A_51, %lt3A_52 : i32
      %convert_element_type3A_54 = arith.extui %lt3A_53 : i1 to i32
      %cond3A_55 = arith.constant 0 : i32
      %cond3A_56 = arith.cmpi ne, %convert_element_type3A_54, %cond3A_55 : i32
      scf.if %cond3A_56 {
        %dma_start3A_95 = arith.constant 0 : i32
        %dma_start3A_96 = arith.constant 0 : i32
        %dma_start3A_97 = tpu.memref_slice %arg2[%dma_start3A_95, %dma_start3A_96] : memref<10000x128xf32, #tpu.memory_space<hbm>> -> memref<10000x128xf32, #tpu.memory_space<hbm>>
        tpu.enqueue_indirect_dma source(%dma_start3A_97 : memref<10000x128xf32, #tpu.memory_space<hbm>>) target(%arg12 : memref<112x128xf32, #tpu.memory_space<vmem>>) offsets(%arg8 : memref<112xi32, #tpu.memory_space<vmem>>) semaphore(%arg15 : memref<!tpu.dma_semaphore, #tpu.memory_space<semaphore_mem>>)
      } else {
      }
      "tpu.region"() ({
        %run_scoped3A = tpu.sem_alloc : memref<!tpu.dma_semaphore, #tpu.memory_space<semaphore_mem>>
        %dma_start3A_95 = arith.constant 0 : i32
        %dma_start3A_96 = arith.constant 0 : i32
        %dma_start3A_97 = tpu.memref_slice %arg13[%dma_start3A_95, %dma_start3A_96] : memref<10240x128xf32, #tpu.memory_space<vmem_shared>> -> memref<10240x128xf32, #tpu.memory_space<vmem_shared>>
        tpu.enqueue_indirect_dma source(%arg11 : memref<112x128xf32, #tpu.memory_space<vmem>>) target(%dma_start3A_97 : memref<10240x128xf32, #tpu.memory_space<vmem_shared>>) offsets(%arg9 : memref<112xi32, #tpu.memory_space<vmem>>) semaphore(%run_scoped3A : memref<!tpu.dma_semaphore, #tpu.memory_space<semaphore_mem>>) {add = true}
        %dma_wait3A_98 = arith.constant 0 : i32
        %dma_wait3A_99 = arith.constant 0 : i32
        %dma_wait3A_100 = tpu.memref_slice %arg13[%dma_wait3A_98, %dma_wait3A_99] : memref<10240x128xf32, #tpu.memory_space<vmem_shared>> -> memref<10240x128xf32, #tpu.memory_space<vmem_shared>>
        tpu.wait_indirect_dma semaphore(%run_scoped3A : memref<!tpu.dma_semaphore, #tpu.memory_space<semaphore_mem>>) src(%arg11 : memref<112x128xf32, #tpu.memory_space<vmem>>) dst(%dma_wait3A_100 : memref<10240x128xf32, #tpu.memory_space<vmem_shared>>)
        tpu.yield
      }) : () -> ()
      %add3A_57 = arith.constant 2 : i32
      %add3A_58 = arith.addi %add3A_40, %add3A_57 : i32
      %lt3A_59 = arith.constant 92 : i32
      %lt3A_60 = arith.cmpi slt, %add3A_58, %lt3A_59 : i32
      %convert_element_type3A_61 = arith.extui %lt3A_60 : i1 to i32
      %cond3A_62 = arith.constant 0 : i32
      %cond3A_63 = arith.cmpi ne, %convert_element_type3A_61, %cond3A_62 : i32
      scf.if %cond3A_63 {
        %add3A_95 = arith.constant 2 : i32
        %add3A_96 = arith.addi %add3A_40, %add3A_95 : i32
        %mul3A_97 = arith.constant 112 : i32
        %mul3A_98 = arith.muli %add3A_96, %mul3A_97 : i32
        %add3A_99 = arith.addi %multiple_of3A_8, %mul3A_98 : i32
        %multiple_of3A_100 = tpu.assume_multiple %add3A_99, 8 : i32
        %dma_start3A_101 = tpu.memref_slice %arg3[%multiple_of3A_100] : memref<329728xi32, #tpu.memory_space<hbm>> -> memref<112xi32, #tpu.memory_space<hbm>>
        %dma_start3A_102 = tpu.memref_slice %arg3[%multiple_of3A_100] : memref<329728xi32, #tpu.memory_space<hbm>> -> memref<112xi32, #tpu.memory_space<hbm>>
        tpu.enqueue_dma source(%dma_start3A_102 : memref<112xi32, #tpu.memory_space<hbm>>) target(%arg7 : memref<112xi32, #tpu.memory_space<vmem>>) target_semaphore(%arg16 : memref<!tpu.dma_semaphore, #tpu.memory_space<semaphore_mem>>)
        %dma_start3A_103 = tpu.memref_slice %arg4[%multiple_of3A_100] : memref<329728xi32, #tpu.memory_space<hbm>> -> memref<112xi32, #tpu.memory_space<hbm>>
        %dma_start3A_104 = tpu.memref_slice %arg4[%multiple_of3A_100] : memref<329728xi32, #tpu.memory_space<hbm>> -> memref<112xi32, #tpu.memory_space<hbm>>
        tpu.enqueue_dma source(%dma_start3A_104 : memref<112xi32, #tpu.memory_space<hbm>>) target(%arg9 : memref<112xi32, #tpu.memory_space<vmem>>) target_semaphore(%arg16 : memref<!tpu.dma_semaphore, #tpu.memory_space<semaphore_mem>>)
      } else {
      }
      %mul3A_64 = arith.constant 2 : i32
      %mul3A_65 = arith.muli %scan3A_36, %mul3A_64 : i32
      %add3A_66 = arith.constant 1 : i32
      %add3A_67 = arith.addi %mul3A_65, %add3A_66 : i32
      %add3A_68 = arith.constant 1 : i32
      %add3A_69 = arith.addi %add3A_67, %add3A_68 : i32
      %lt3A_70 = arith.constant 92 : i32
      %lt3A_71 = arith.cmpi slt, %add3A_69, %lt3A_70 : i32
      %convert_element_type3A_72 = arith.extui %lt3A_71 : i1 to i32
      %cond3A_73 = arith.constant 0 : i32
      %cond3A_74 = arith.cmpi ne, %convert_element_type3A_72, %cond3A_73 : i32
      scf.if %cond3A_74 {
        %dma_wait3A_95 = arith.constant 0 : i32
        %dma_wait3A_96 = tpu.memref_slice %arg3[%dma_wait3A_95] : memref<329728xi32, #tpu.memory_space<hbm>> -> memref<112xi32, #tpu.memory_space<hbm>>
        %dma_wait3A_97 = arith.constant 0 : i32
        %dma_wait3A_98 = tpu.memref_slice %arg3[%dma_wait3A_97] : memref<329728xi32, #tpu.memory_space<hbm>> -> memref<112xi32, #tpu.memory_space<hbm>>
        tpu.wait_dma2 semaphore(%arg16 : memref<!tpu.dma_semaphore, #tpu.memory_space<semaphore_mem>>) src(%dma_wait3A_98 : memref<112xi32, #tpu.memory_space<hbm>>) dst(%arg7 : memref<112xi32, #tpu.memory_space<vmem>>)
        %dma_wait3A_99 = arith.constant 0 : i32
        %dma_wait3A_100 = tpu.memref_slice %arg4[%dma_wait3A_99] : memref<329728xi32, #tpu.memory_space<hbm>> -> memref<112xi32, #tpu.memory_space<hbm>>
        %dma_wait3A_101 = arith.constant 0 : i32
        %dma_wait3A_102 = tpu.memref_slice %arg4[%dma_wait3A_101] : memref<329728xi32, #tpu.memory_space<hbm>> -> memref<112xi32, #tpu.memory_space<hbm>>
        tpu.wait_dma2 semaphore(%arg16 : memref<!tpu.dma_semaphore, #tpu.memory_space<semaphore_mem>>) src(%dma_wait3A_102 : memref<112xi32, #tpu.memory_space<hbm>>) dst(%arg9 : memref<112xi32, #tpu.memory_space<vmem>>)
      } else {
      }
      %dma_wait3A_75 = arith.constant 0 : i32
      %dma_wait3A_76 = arith.constant 0 : i32
      %dma_wait3A_77 = tpu.memref_slice %arg2[%dma_wait3A_75, %dma_wait3A_76] : memref<10000x128xf32, #tpu.memory_space<hbm>> -> memref<112x128xf32, #tpu.memory_space<hbm>>
      %dma_wait3A_78 = arith.constant 0 : i32
      %dma_wait3A_79 = arith.constant 0 : i32
      %dma_wait3A_80 = tpu.memref_slice %arg2[%dma_wait3A_78, %dma_wait3A_79] : memref<10000x128xf32, #tpu.memory_space<hbm>> -> memref<112x128xf32, #tpu.memory_space<hbm>>
      tpu.wait_dma2 semaphore(%arg15 : memref<!tpu.dma_semaphore, #tpu.memory_space<semaphore_mem>>) src(%dma_wait3A_80 : memref<112x128xf32, #tpu.memory_space<hbm>>) dst(%arg12 : memref<112x128xf32, #tpu.memory_space<vmem>>)
      %add3A_81 = arith.constant 1 : i32
      %add3A_82 = arith.addi %add3A_67, %add3A_81 : i32
      %lt3A_83 = arith.constant 92 : i32
      %lt3A_84 = arith.cmpi slt, %add3A_82, %lt3A_83 : i32
      %convert_element_type3A_85 = arith.extui %lt3A_84 : i1 to i32
      %cond3A_86 = arith.constant 0 : i32
      %cond3A_87 = arith.cmpi ne, %convert_element_type3A_85, %cond3A_86 : i32
      scf.if %cond3A_87 {
        %dma_start3A_95 = arith.constant 0 : i32
        %dma_start3A_96 = arith.constant 0 : i32
        %dma_start3A_97 = tpu.memref_slice %arg2[%dma_start3A_95, %dma_start3A_96] : memref<10000x128xf32, #tpu.memory_space<hbm>> -> memref<10000x128xf32, #tpu.memory_space<hbm>>
        tpu.enqueue_indirect_dma source(%dma_start3A_97 : memref<10000x128xf32, #tpu.memory_space<hbm>>) target(%arg11 : memref<112x128xf32, #tpu.memory_space<vmem>>) offsets(%arg7 : memref<112xi32, #tpu.memory_space<vmem>>) semaphore(%arg14 : memref<!tpu.dma_semaphore, #tpu.memory_space<semaphore_mem>>)
      } else {
      }
      "tpu.region"() ({
        %run_scoped3A = tpu.sem_alloc : memref<!tpu.dma_semaphore, #tpu.memory_space<semaphore_mem>>
        %dma_start3A_95 = arith.constant 0 : i32
        %dma_start3A_96 = arith.constant 0 : i32
        %dma_start3A_97 = tpu.memref_slice %arg13[%dma_start3A_95, %dma_start3A_96] : memref<10240x128xf32, #tpu.memory_space<vmem_shared>> -> memref<10240x128xf32, #tpu.memory_space<vmem_shared>>
        tpu.enqueue_indirect_dma source(%arg12 : memref<112x128xf32, #tpu.memory_space<vmem>>) target(%dma_start3A_97 : memref<10240x128xf32, #tpu.memory_space<vmem_shared>>) offsets(%arg10 : memref<112xi32, #tpu.memory_space<vmem>>) semaphore(%run_scoped3A : memref<!tpu.dma_semaphore, #tpu.memory_space<semaphore_mem>>) {add = true}
        %dma_wait3A_98 = arith.constant 0 : i32
        %dma_wait3A_99 = arith.constant 0 : i32
        %dma_wait3A_100 = tpu.memref_slice %arg13[%dma_wait3A_98, %dma_wait3A_99] : memref<10240x128xf32, #tpu.memory_space<vmem_shared>> -> memref<10240x128xf32, #tpu.memory_space<vmem_shared>>
        tpu.wait_indirect_dma semaphore(%run_scoped3A : memref<!tpu.dma_semaphore, #tpu.memory_space<semaphore_mem>>) src(%arg12 : memref<112x128xf32, #tpu.memory_space<vmem>>) dst(%dma_wait3A_100 : memref<10240x128xf32, #tpu.memory_space<vmem_shared>>)
        tpu.yield
      }) : () -> ()
      %add3A_88 = arith.constant 2 : i32
      %add3A_89 = arith.addi %add3A_67, %add3A_88 : i32
      %lt3A_90 = arith.constant 92 : i32
      %lt3A_91 = arith.cmpi slt, %add3A_89, %lt3A_90 : i32
      %convert_element_type3A_92 = arith.extui %lt3A_91 : i1 to i32
      %cond3A_93 = arith.constant 0 : i32
      %cond3A_94 = arith.cmpi ne, %convert_element_type3A_92, %cond3A_93 : i32
      scf.if %cond3A_94 {
        %add3A_95 = arith.constant 2 : i32
        %add3A_96 = arith.addi %add3A_67, %add3A_95 : i32
        %mul3A_97 = arith.constant 112 : i32
        %mul3A_98 = arith.muli %add3A_96, %mul3A_97 : i32
        %add3A_99 = arith.addi %multiple_of3A_8, %mul3A_98 : i32
        %multiple_of3A_100 = tpu.assume_multiple %add3A_99, 8 : i32
        %dma_start3A_101 = tpu.memref_slice %arg3[%multiple_of3A_100] : memref<329728xi32, #tpu.memory_space<hbm>> -> memref<112xi32, #tpu.memory_space<hbm>>
        %dma_start3A_102 = tpu.memref_slice %arg3[%multiple_of3A_100] : memref<329728xi32, #tpu.memory_space<hbm>> -> memref<112xi32, #tpu.memory_space<hbm>>
        tpu.enqueue_dma source(%dma_start3A_102 : memref<112xi32, #tpu.memory_space<hbm>>) target(%arg8 : memref<112xi32, #tpu.memory_space<vmem>>) target_semaphore(%arg17 : memref<!tpu.dma_semaphore, #tpu.memory_space<semaphore_mem>>)
        %dma_start3A_103 = tpu.memref_slice %arg4[%multiple_of3A_100] : memref<329728xi32, #tpu.memory_space<hbm>> -> memref<112xi32, #tpu.memory_space<hbm>>
        %dma_start3A_104 = tpu.memref_slice %arg4[%multiple_of3A_100] : memref<329728xi32, #tpu.memory_space<hbm>> -> memref<112xi32, #tpu.memory_space<hbm>>
        tpu.enqueue_dma source(%dma_start3A_104 : memref<112xi32, #tpu.memory_space<hbm>>) target(%arg10 : memref<112xi32, #tpu.memory_space<vmem>>) target_semaphore(%arg17 : memref<!tpu.dma_semaphore, #tpu.memory_space<semaphore_mem>>)
      } else {
      }
    }
    %scan3A_25 = arith.constant 46 : i32
    %barrier3A_26 = arith.constant 0 : index
    tpu.barrier barrier_id(%barrier3A_26)
    %mul3A_27 = arith.constant 640 : i32
    %mul3A_28 = arith.muli %arg1, %mul3A_27 : i32
    %multiple_of3A_29 = tpu.assume_multiple %mul3A_28, 8 : i32
    %mul3A_30 = arith.constant 10240 : i32
    %mul3A_31 = arith.muli %arg0, %mul3A_30 : i32
    %mul3A_32 = arith.constant 640 : i32
    %mul3A_33 = arith.muli %arg1, %mul3A_32 : i32
    %add3A_34 = arith.addi %mul3A_31, %mul3A_33 : i32
    %multiple_of3A_35 = tpu.assume_multiple %add3A_34, 8 : i32
    "tpu.region"() ({
      %run_scoped3A = tpu.sem_alloc : memref<!tpu.dma_semaphore, #tpu.memory_space<semaphore_mem>>
      %dma_start3A_36 = arith.constant 0 : i32
      %dma_start3A_37 = tpu.memref_slice %arg6[%multiple_of3A_35, %dma_start3A_36] : memref<20480x128xf32, #tpu.memory_space<hbm>> -> memref<640x128xf32, #tpu.memory_space<hbm>>
      %dma_start3A_38 = arith.constant 0 : i32
      %dma_start3A_39 = tpu.memref_slice %arg13[%multiple_of3A_29, %dma_start3A_38] : memref<10240x128xf32, #tpu.memory_space<vmem_shared>> -> memref<640x128xf32, #tpu.memory_space<vmem_shared>>
      tpu.enqueue_dma source(%dma_start3A_39 : memref<640x128xf32, #tpu.memory_space<vmem_shared>>) target(%dma_start3A_37 : memref<640x128xf32, #tpu.memory_space<hbm>>) target_semaphore(%run_scoped3A : memref<!tpu.dma_semaphore, #tpu.memory_space<semaphore_mem>>)
      %dma_wait3A = arith.constant 0 : i32
      %dma_wait3A_40 = tpu.memref_slice %arg6[%multiple_of3A_35, %dma_wait3A] : memref<20480x128xf32, #tpu.memory_space<hbm>> -> memref<640x128xf32, #tpu.memory_space<hbm>>
      %dma_wait3A_41 = arith.constant 0 : i32
      %dma_wait3A_42 = tpu.memref_slice %arg13[%multiple_of3A_29, %dma_wait3A_41] : memref<10240x128xf32, #tpu.memory_space<vmem_shared>> -> memref<640x128xf32, #tpu.memory_space<vmem_shared>>
      tpu.wait_dma2 semaphore(%run_scoped3A : memref<!tpu.dma_semaphore, #tpu.memory_space<semaphore_mem>>) src(%dma_wait3A_42 : memref<640x128xf32, #tpu.memory_space<vmem_shared>>) dst(%dma_wait3A_40 : memref<640x128xf32, #tpu.memory_space<hbm>>)
      tpu.yield
    }) : () -> ()
    return
  }
}

#map = affine_map<(d0, d1) -> (0, 0)>
#map1 = affine_map<(d0, d1) -> (0)>
module attributes {stable_mosaic.version = 14 : i64} {
  func.func @_scat_body(%arg0: i32, %arg1: i32, %arg2: memref<10000x128xf32, #tpu.memory_space<hbm>>, %arg3: memref<329728xi32, #tpu.memory_space<hbm>>, %arg4: memref<329728xi32, #tpu.memory_space<hbm>>, %arg5: memref<10240x128xf32, #tpu.memory_space<hbm>>, %arg6: memref<20480x128xf32, #tpu.memory_space<hbm>>, %arg7: memref<112xi32, #tpu.memory_space<vmem>>, %arg8: memref<112xi32, #tpu.memory_space<vmem>>, %arg9: memref<112xi32, #tpu.memory_space<vmem>>, %arg10: memref<112xi32, #tpu.memory_space<vmem>>, %arg11: memref<112x128xf32, #tpu.memory_space<vmem>>, %arg12: memref<112x128xf32, #tpu.memory_space<vmem>>, %arg13: memref<10240x128xf32, #tpu.memory_space<vmem_shared>>, %arg14: memref<!tpu.dma_semaphore, #tpu.memory_space<semaphore_mem>>, %arg15: memref<!tpu.dma_semaphore, #tpu.memory_space<semaphore_mem>>, %arg16: memref<!tpu.dma_semaphore, #tpu.memory_space<semaphore_mem>>, %arg17: memref<!tpu.dma_semaphore, #tpu.memory_space<semaphore_mem>>) attributes {dimension_semantics = [#tpu.dimension_semantics<core_parallel>, #tpu.dimension_semantics<subcore_parallel>], iteration_bounds = array<i64: 2, 16>, scalar_prefetch = 0 : i64, scratch_operands = 11 : i64, tpu.core_type = #tpu.core_type<sc_vector_subcore>, window_params = [{transform_indices = #map}, {transform_indices = #map1}, {transform_indices = #map1}, {transform_indices = #map}, {transform_indices = #map}]} {
    %mul3A = arith.constant 16 : i32
    %mul3A_0 = arith.muli %arg0, %mul3A : i32
    %add3A = arith.addi %mul3A_0, %arg1 : i32
    %mul3A_1 = arith.constant 640 : i32
    %mul3A_2 = arith.muli %arg1, %mul3A_1 : i32
    %multiple_of3A = tpu.assume_multiple %mul3A_2, 8 : i32
    %mul3A_3 = arith.constant 640 : i32
    %mul3A_4 = arith.muli %arg1, %mul3A_3 : i32
    %multiple_of3A_5 = tpu.assume_multiple %mul3A_4, 8 : i32
    "tpu.region"() ({
      %run_scoped3A = tpu.sem_alloc : memref<!tpu.dma_semaphore, #tpu.memory_space<semaphore_mem>>
      %dma_start3A_36 = arith.constant 0 : i32
      %dma_start3A_37 = tpu.memref_slice %arg13[%multiple_of3A_5, %dma_start3A_36] : memref<10240x128xf32, #tpu.memory_space<vmem_shared>> -> memref<640x128xf32, #tpu.memory_space<vmem_shared>>
      %dma_start3A_38 = arith.constant 0 : i32
      %dma_start3A_39 = tpu.memref_slice %arg5[%multiple_of3A, %dma_start3A_38] : memref<10240x128xf32, #tpu.memory_space<hbm>> -> memref<640x128xf32, #tpu.memory_space<hbm>>
      tpu.enqueue_dma source(%dma_start3A_39 : memref<640x128xf32, #tpu.memory_space<hbm>>) target(%dma_start3A_37 : memref<640x128xf32, #tpu.memory_space<vmem_shared>>) target_semaphore(%run_scoped3A : memref<!tpu.dma_semaphore, #tpu.memory_space<semaphore_mem>>)
      %dma_wait3A = arith.constant 0 : i32
      %dma_wait3A_40 = tpu.memref_slice %arg13[%multiple_of3A_5, %dma_wait3A] : memref<10240x128xf32, #tpu.memory_space<vmem_shared>> -> memref<640x128xf32, #tpu.memory_space<vmem_shared>>
      %dma_wait3A_41 = arith.constant 0 : i32
      %dma_wait3A_42 = tpu.memref_slice %arg5[%multiple_of3A, %dma_wait3A_41] : memref<10240x128xf32, #tpu.memory_space<hbm>> -> memref<640x128xf32, #tpu.memory_space<hbm>>
      tpu.wait_dma2 semaphore(%run_scoped3A : memref<!tpu.dma_semaphore, #tpu.memory_space<semaphore_mem>>) src(%dma_wait3A_42 : memref<640x128xf32, #tpu.memory_space<hbm>>) dst(%dma_wait3A_40 : memref<640x128xf32, #tpu.memory_space<vmem_shared>>)
      tpu.yield
    }) : () -> ()
    %barrier3A = arith.constant 0 : index
    tpu.barrier barrier_id(%barrier3A)
    %mul3A_6 = arith.constant 10304 : i32
    %mul3A_7 = arith.muli %add3A, %mul3A_6 : i32
    %multiple_of3A_8 = tpu.assume_multiple %mul3A_7, 8 : i32
    "tpu.region"() ({
      %run_scoped3A = tpu.sem_alloc : memref<!tpu.dma_semaphore, #tpu.memory_space<semaphore_mem>>
      %dma_start3A_36 = tpu.memref_slice %arg3[%multiple_of3A_8] : memref<329728xi32, #tpu.memory_space<hbm>> -> memref<112xi32, #tpu.memory_space<hbm>>
      %dma_start3A_37 = tpu.memref_slice %arg3[%multiple_of3A_8] : memref<329728xi32, #tpu.memory_space<hbm>> -> memref<112xi32, #tpu.memory_space<hbm>>
      tpu.enqueue_dma source(%dma_start3A_37 : memref<112xi32, #tpu.memory_space<hbm>>) target(%arg7 : memref<112xi32, #tpu.memory_space<vmem>>) target_semaphore(%run_scoped3A : memref<!tpu.dma_semaphore, #tpu.memory_space<semaphore_mem>>)
      %dma_wait3A = tpu.memref_slice %arg3[%multiple_of3A_8] : memref<329728xi32, #tpu.memory_space<hbm>> -> memref<112xi32, #tpu.memory_space<hbm>>
      %dma_wait3A_38 = tpu.memref_slice %arg3[%multiple_of3A_8] : memref<329728xi32, #tpu.memory_space<hbm>> -> memref<112xi32, #tpu.memory_space<hbm>>
      tpu.wait_dma2 semaphore(%run_scoped3A : memref<!tpu.dma_semaphore, #tpu.memory_space<semaphore_mem>>) src(%dma_wait3A_38 : memref<112xi32, #tpu.memory_space<hbm>>) dst(%arg7 : memref<112xi32, #tpu.memory_space<vmem>>)
      tpu.yield
    }) : () -> ()
    "tpu.region"() ({
      %run_scoped3A = tpu.sem_alloc : memref<!tpu.dma_semaphore, #tpu.memory_space<semaphore_mem>>
      %dma_start3A_36 = tpu.memref_slice %arg4[%multiple_of3A_8] : memref<329728xi32, #tpu.memory_space<hbm>> -> memref<112xi32, #tpu.memory_space<hbm>>
      %dma_start3A_37 = tpu.memref_slice %arg4[%multiple_of3A_8] : memref<329728xi32, #tpu.memory_space<hbm>> -> memref<112xi32, #tpu.memory_space<hbm>>
      tpu.enqueue_dma source(%dma_start3A_37 : memref<112xi32, #tpu.memory_space<hbm>>) target(%arg9 : memref<112xi32, #tpu.memory_space<vmem>>) target_semaphore(%run_scoped3A : memref<!tpu.dma_semaphore, #tpu.memory_space<semaphore_mem>>)
      %dma_wait3A = tpu.memref_slice %arg4[%multiple_of3A_8] : memref<329728xi32, #tpu.memory_space<hbm>> -> memref<112xi32, #tpu.memory_space<hbm>>
      %dma_wait3A_38 = tpu.memref_slice %arg4[%multiple_of3A_8] : memref<329728xi32, #tpu.memory_space<hbm>> -> memref<112xi32, #tpu.memory_space<hbm>>
      tpu.wait_dma2 semaphore(%run_scoped3A : memref<!tpu.dma_semaphore, #tpu.memory_space<semaphore_mem>>) src(%dma_wait3A_38 : memref<112xi32, #tpu.memory_space<hbm>>) dst(%arg9 : memref<112xi32, #tpu.memory_space<vmem>>)
      tpu.yield
    }) : () -> ()
    %dma_start3A = arith.constant 0 : i32
    %dma_start3A_9 = arith.constant 0 : i32
    %dma_start3A_10 = tpu.memref_slice %arg2[%dma_start3A, %dma_start3A_9] : memref<10000x128xf32, #tpu.memory_space<hbm>> -> memref<10000x128xf32, #tpu.memory_space<hbm>>
    tpu.enqueue_indirect_dma source(%dma_start3A_10 : memref<10000x128xf32, #tpu.memory_space<hbm>>) target(%arg11 : memref<112x128xf32, #tpu.memory_space<vmem>>) offsets(%arg7 : memref<112xi32, #tpu.memory_space<vmem>>) semaphore(%arg14 : memref<!tpu.dma_semaphore, #tpu.memory_space<semaphore_mem>>)
    %add3A_11 = arith.constant 112 : i32
    %add3A_12 = arith.addi %multiple_of3A_8, %add3A_11 : i32
    %multiple_of3A_13 = tpu.assume_multiple %add3A_12, 8 : i32
    %dma_start3A_14 = tpu.memref_slice %arg3[%multiple_of3A_13] : memref<329728xi32, #tpu.memory_space<hbm>> -> memref<112xi32, #tpu.memory_space<hbm>>
    %dma_start3A_15 = tpu.memref_slice %arg3[%multiple_of3A_13] : memref<329728xi32, #tpu.memory_space<hbm>> -> memref<112xi32, #tpu.memory_space<hbm>>
    tpu.enqueue_dma source(%dma_start3A_15 : memref<112xi32, #tpu.memory_space<hbm>>) target(%arg8 : memref<112xi32, #tpu.memory_space<vmem>>) target_semaphore(%arg17 : memref<!tpu.dma_semaphore, #tpu.memory_space<semaphore_mem>>)
    %add3A_16 = arith.constant 112 : i32
    %add3A_17 = arith.addi %multiple_of3A_8, %add3A_16 : i32
    %multiple_of3A_18 = tpu.assume_multiple %add3A_17, 8 : i32
    %dma_start3A_19 = tpu.memref_slice %arg4[%multiple_of3A_18] : memref<329728xi32, #tpu.memory_space<hbm>> -> memref<112xi32, #tpu.memory_space<hbm>>
    %dma_start3A_20 = tpu.memref_slice %arg4[%multiple_of3A_18] : memref<329728xi32, #tpu.memory_space<hbm>> -> memref<112xi32, #tpu.memory_space<hbm>>
    tpu.enqueue_dma source(%dma_start3A_20 : memref<112xi32, #tpu.memory_space<hbm>>) target(%arg10 : memref<112xi32, #tpu.memory_space<vmem>>) target_semaphore(%arg17 : memref<!tpu.dma_semaphore, #tpu.memory_space<semaphore_mem>>)
    %scan3A = arith.constant 0 : i32
    %scan3A_21 = arith.constant 0 : i32
    %scan3A_22 = arith.constant 46 : i32
    %scan3A_23 = arith.addi %scan3A_21, %scan3A_22 : i32
    %scan3A_24 = arith.constant 1 : i32
    scf.for %scan3A_36 = %scan3A_21 to %scan3A_23 step %scan3A_24  : i32 {
      %mul3A_37 = arith.constant 2 : i32
      %mul3A_38 = arith.muli %scan3A_36, %mul3A_37 : i32
      %add3A_39 = arith.constant 0 : i32
      %add3A_40 = arith.addi %mul3A_38, %add3A_39 : i32
      %add3A_41 = arith.constant 1 : i32
      %add3A_42 = arith.addi %add3A_40, %add3A_41 : i32
      %lt3A = arith.constant 92 : i32
      %lt3A_43 = arith.cmpi slt, %add3A_42, %lt3A : i32
      %convert_element_type3A = arith.extui %lt3A_43 : i1 to i32
      %cond3A = arith.constant 0 : i32
      %cond3A_44 = arith.cmpi ne, %convert_element_type3A, %cond3A : i32
      scf.if %cond3A_44 {
        %dma_wait3A_95 = arith.constant 0 : i32
        %dma_wait3A_96 = tpu.memref_slice %arg3[%dma_wait3A_95] : memref<329728xi32, #tpu.memory_space<hbm>> -> memref<112xi32, #tpu.memory_space<hbm>>
        %dma_wait3A_97 = arith.constant 0 : i32
        %dma_wait3A_98 = tpu.memref_slice %arg3[%dma_wait3A_97] : memref<329728xi32, #tpu.memory_space<hbm>> -> memref<112xi32, #tpu.memory_space<hbm>>
        tpu.wait_dma2 semaphore(%arg17 : memref<!tpu.dma_semaphore, #tpu.memory_space<semaphore_mem>>) src(%dma_wait3A_98 : memref<112xi32, #tpu.memory_space<hbm>>) dst(%arg8 : memref<112xi32, #tpu.memory_space<vmem>>)
        %dma_wait3A_99 = arith.constant 0 : i32
        %dma_wait3A_100 = tpu.memref_slice %arg4[%dma_wait3A_99] : memref<329728xi32, #tpu.memory_space<hbm>> -> memref<112xi32, #tpu.memory_space<hbm>>
        %dma_wait3A_101 = arith.constant 0 : i32
        %dma_wait3A_102 = tpu.memref_slice %arg4[%dma_wait3A_101] : memref<329728xi32, #tpu.memory_space<hbm>> -> memref<112xi32, #tpu.memory_space<hbm>>
        tpu.wait_dma2 semaphore(%arg17 : memref<!tpu.dma_semaphore, #tpu.memory_space<semaphore_mem>>) src(%dma_wait3A_102 : memref<112xi32, #tpu.memory_space<hbm>>) dst(%arg10 : memref<112xi32, #tpu.memory_space<vmem>>)
      } else {
      }
      %dma_wait3A = arith.constant 0 : i32
      %dma_wait3A_45 = arith.constant 0 : i32
      %dma_wait3A_46 = tpu.memref_slice %arg2[%dma_wait3A, %dma_wait3A_45] : memref<10000x128xf32, #tpu.memory_space<hbm>> -> memref<112x128xf32, #tpu.memory_space<hbm>>
      %dma_wait3A_47 = arith.constant 0 : i32
      %dma_wait3A_48 = arith.constant 0 : i32
      %dma_wait3A_49 = tpu.memref_slice %arg2[%dma_wait3A_47, %dma_wait3A_48] : memref<10000x128xf32, #tpu.memory_space<hbm>> -> memref<112x128xf32, #tpu.memory_space<hbm>>
      tpu.wait_dma2 semaphore(%arg14 : memref<!tpu.dma_semaphore, #tpu.memory_space<semaphore_mem>>) src(%dma_wait3A_49 : memref<112x128xf32, #tpu.memory_space<hbm>>) dst(%arg11 : memref<112x128xf32, #tpu.memory_space<vmem>>)
      %add3A_50 = arith.constant 1 : i32
      %add3A_51 = arith.addi %add3A_40, %add3A_50 : i32
      %lt3A_52 = arith.constant 92 : i32
      %lt3A_53 = arith.cmpi slt, %add3A_51, %lt3A_52 : i32
      %convert_element_type3A_54 = arith.extui %lt3A_53 : i1 to i32
      %cond3A_55 = arith.constant 0 : i32
      %cond3A_56 = arith.cmpi ne, %convert_element_type3A_54, %cond3A_55 : i32
      scf.if %cond3A_56 {
        %dma_start3A_95 = arith.constant 0 : i32
        %dma_start3A_96 = arith.constant 0 : i32
        %dma_start3A_97 = tpu.memref_slice %arg2[%dma_start3A_95, %dma_start3A_96] : memref<10000x128xf32, #tpu.memory_space<hbm>> -> memref<10000x128xf32, #tpu.memory_space<hbm>>
        tpu.enqueue_indirect_dma source(%dma_start3A_97 : memref<10000x128xf32, #tpu.memory_space<hbm>>) target(%arg12 : memref<112x128xf32, #tpu.memory_space<vmem>>) offsets(%arg8 : memref<112xi32, #tpu.memory_space<vmem>>) semaphore(%arg15 : memref<!tpu.dma_semaphore, #tpu.memory_space<semaphore_mem>>)
      } else {
      }
      "tpu.region"() ({
        %run_scoped3A = tpu.sem_alloc : memref<!tpu.dma_semaphore, #tpu.memory_space<semaphore_mem>>
        %dma_start3A_95 = arith.constant 0 : i32
        %dma_start3A_96 = arith.constant 0 : i32
        %dma_start3A_97 = tpu.memref_slice %arg13[%dma_start3A_95, %dma_start3A_96] : memref<10240x128xf32, #tpu.memory_space<vmem_shared>> -> memref<10240x128xf32, #tpu.memory_space<vmem_shared>>
        tpu.enqueue_indirect_dma source(%arg11 : memref<112x128xf32, #tpu.memory_space<vmem>>) target(%dma_start3A_97 : memref<10240x128xf32, #tpu.memory_space<vmem_shared>>) offsets(%arg9 : memref<112xi32, #tpu.memory_space<vmem>>) semaphore(%run_scoped3A : memref<!tpu.dma_semaphore, #tpu.memory_space<semaphore_mem>>) {add = true}
        %dma_wait3A_98 = arith.constant 0 : i32
        %dma_wait3A_99 = arith.constant 0 : i32
        %dma_wait3A_100 = tpu.memref_slice %arg13[%dma_wait3A_98, %dma_wait3A_99] : memref<10240x128xf32, #tpu.memory_space<vmem_shared>> -> memref<10240x128xf32, #tpu.memory_space<vmem_shared>>
        tpu.wait_indirect_dma semaphore(%run_scoped3A : memref<!tpu.dma_semaphore, #tpu.memory_space<semaphore_mem>>) src(%arg11 : memref<112x128xf32, #tpu.memory_space<vmem>>) dst(%dma_wait3A_100 : memref<10240x128xf32, #tpu.memory_space<vmem_shared>>)
        tpu.yield
      }) : () -> ()
      %add3A_57 = arith.constant 2 : i32
      %add3A_58 = arith.addi %add3A_40, %add3A_57 : i32
      %lt3A_59 = arith.constant 92 : i32
      %lt3A_60 = arith.cmpi slt, %add3A_58, %lt3A_59 : i32
      %convert_element_type3A_61 = arith.extui %lt3A_60 : i1 to i32
      %cond3A_62 = arith.constant 0 : i32
      %cond3A_63 = arith.cmpi ne, %convert_element_type3A_61, %cond3A_62 : i32
      scf.if %cond3A_63 {
        %add3A_95 = arith.constant 2 : i32
        %add3A_96 = arith.addi %add3A_40, %add3A_95 : i32
        %mul3A_97 = arith.constant 112 : i32
        %mul3A_98 = arith.muli %add3A_96, %mul3A_97 : i32
        %add3A_99 = arith.addi %multiple_of3A_8, %mul3A_98 : i32
        %multiple_of3A_100 = tpu.assume_multiple %add3A_99, 8 : i32
        %dma_start3A_101 = tpu.memref_slice %arg3[%multiple_of3A_100] : memref<329728xi32, #tpu.memory_space<hbm>> -> memref<112xi32, #tpu.memory_space<hbm>>
        %dma_start3A_102 = tpu.memref_slice %arg3[%multiple_of3A_100] : memref<329728xi32, #tpu.memory_space<hbm>> -> memref<112xi32, #tpu.memory_space<hbm>>
        tpu.enqueue_dma source(%dma_start3A_102 : memref<112xi32, #tpu.memory_space<hbm>>) target(%arg7 : memref<112xi32, #tpu.memory_space<vmem>>) target_semaphore(%arg16 : memref<!tpu.dma_semaphore, #tpu.memory_space<semaphore_mem>>)
        %dma_start3A_103 = tpu.memref_slice %arg4[%multiple_of3A_100] : memref<329728xi32, #tpu.memory_space<hbm>> -> memref<112xi32, #tpu.memory_space<hbm>>
        %dma_start3A_104 = tpu.memref_slice %arg4[%multiple_of3A_100] : memref<329728xi32, #tpu.memory_space<hbm>> -> memref<112xi32, #tpu.memory_space<hbm>>
        tpu.enqueue_dma source(%dma_start3A_104 : memref<112xi32, #tpu.memory_space<hbm>>) target(%arg9 : memref<112xi32, #tpu.memory_space<vmem>>) target_semaphore(%arg16 : memref<!tpu.dma_semaphore, #tpu.memory_space<semaphore_mem>>)
      } else {
      }
      %mul3A_64 = arith.constant 2 : i32
      %mul3A_65 = arith.muli %scan3A_36, %mul3A_64 : i32
      %add3A_66 = arith.constant 1 : i32
      %add3A_67 = arith.addi %mul3A_65, %add3A_66 : i32
      %add3A_68 = arith.constant 1 : i32
      %add3A_69 = arith.addi %add3A_67, %add3A_68 : i32
      %lt3A_70 = arith.constant 92 : i32
      %lt3A_71 = arith.cmpi slt, %add3A_69, %lt3A_70 : i32
      %convert_element_type3A_72 = arith.extui %lt3A_71 : i1 to i32
      %cond3A_73 = arith.constant 0 : i32
      %cond3A_74 = arith.cmpi ne, %convert_element_type3A_72, %cond3A_73 : i32
      scf.if %cond3A_74 {
        %dma_wait3A_95 = arith.constant 0 : i32
        %dma_wait3A_96 = tpu.memref_slice %arg3[%dma_wait3A_95] : memref<329728xi32, #tpu.memory_space<hbm>> -> memref<112xi32, #tpu.memory_space<hbm>>
        %dma_wait3A_97 = arith.constant 0 : i32
        %dma_wait3A_98 = tpu.memref_slice %arg3[%dma_wait3A_97] : memref<329728xi32, #tpu.memory_space<hbm>> -> memref<112xi32, #tpu.memory_space<hbm>>
        tpu.wait_dma2 semaphore(%arg16 : memref<!tpu.dma_semaphore, #tpu.memory_space<semaphore_mem>>) src(%dma_wait3A_98 : memref<112xi32, #tpu.memory_space<hbm>>) dst(%arg7 : memref<112xi32, #tpu.memory_space<vmem>>)
        %dma_wait3A_99 = arith.constant 0 : i32
        %dma_wait3A_100 = tpu.memref_slice %arg4[%dma_wait3A_99] : memref<329728xi32, #tpu.memory_space<hbm>> -> memref<112xi32, #tpu.memory_space<hbm>>
        %dma_wait3A_101 = arith.constant 0 : i32
        %dma_wait3A_102 = tpu.memref_slice %arg4[%dma_wait3A_101] : memref<329728xi32, #tpu.memory_space<hbm>> -> memref<112xi32, #tpu.memory_space<hbm>>
        tpu.wait_dma2 semaphore(%arg16 : memref<!tpu.dma_semaphore, #tpu.memory_space<semaphore_mem>>) src(%dma_wait3A_102 : memref<112xi32, #tpu.memory_space<hbm>>) dst(%arg9 : memref<112xi32, #tpu.memory_space<vmem>>)
      } else {
      }
      %dma_wait3A_75 = arith.constant 0 : i32
      %dma_wait3A_76 = arith.constant 0 : i32
      %dma_wait3A_77 = tpu.memref_slice %arg2[%dma_wait3A_75, %dma_wait3A_76] : memref<10000x128xf32, #tpu.memory_space<hbm>> -> memref<112x128xf32, #tpu.memory_space<hbm>>
      %dma_wait3A_78 = arith.constant 0 : i32
      %dma_wait3A_79 = arith.constant 0 : i32
      %dma_wait3A_80 = tpu.memref_slice %arg2[%dma_wait3A_78, %dma_wait3A_79] : memref<10000x128xf32, #tpu.memory_space<hbm>> -> memref<112x128xf32, #tpu.memory_space<hbm>>
      tpu.wait_dma2 semaphore(%arg15 : memref<!tpu.dma_semaphore, #tpu.memory_space<semaphore_mem>>) src(%dma_wait3A_80 : memref<112x128xf32, #tpu.memory_space<hbm>>) dst(%arg12 : memref<112x128xf32, #tpu.memory_space<vmem>>)
      %add3A_81 = arith.constant 1 : i32
      %add3A_82 = arith.addi %add3A_67, %add3A_81 : i32
      %lt3A_83 = arith.constant 92 : i32
      %lt3A_84 = arith.cmpi slt, %add3A_82, %lt3A_83 : i32
      %convert_element_type3A_85 = arith.extui %lt3A_84 : i1 to i32
      %cond3A_86 = arith.constant 0 : i32
      %cond3A_87 = arith.cmpi ne, %convert_element_type3A_85, %cond3A_86 : i32
      scf.if %cond3A_87 {
        %dma_start3A_95 = arith.constant 0 : i32
        %dma_start3A_96 = arith.constant 0 : i32
        %dma_start3A_97 = tpu.memref_slice %arg2[%dma_start3A_95, %dma_start3A_96] : memref<10000x128xf32, #tpu.memory_space<hbm>> -> memref<10000x128xf32, #tpu.memory_space<hbm>>
        tpu.enqueue_indirect_dma source(%dma_start3A_97 : memref<10000x128xf32, #tpu.memory_space<hbm>>) target(%arg11 : memref<112x128xf32, #tpu.memory_space<vmem>>) offsets(%arg7 : memref<112xi32, #tpu.memory_space<vmem>>) semaphore(%arg14 : memref<!tpu.dma_semaphore, #tpu.memory_space<semaphore_mem>>)
      } else {
      }
      "tpu.region"() ({
        %run_scoped3A = tpu.sem_alloc : memref<!tpu.dma_semaphore, #tpu.memory_space<semaphore_mem>>
        %dma_start3A_95 = arith.constant 0 : i32
        %dma_start3A_96 = arith.constant 0 : i32
        %dma_start3A_97 = tpu.memref_slice %arg13[%dma_start3A_95, %dma_start3A_96] : memref<10240x128xf32, #tpu.memory_space<vmem_shared>> -> memref<10240x128xf32, #tpu.memory_space<vmem_shared>>
        tpu.enqueue_indirect_dma source(%arg12 : memref<112x128xf32, #tpu.memory_space<vmem>>) target(%dma_start3A_97 : memref<10240x128xf32, #tpu.memory_space<vmem_shared>>) offsets(%arg10 : memref<112xi32, #tpu.memory_space<vmem>>) semaphore(%run_scoped3A : memref<!tpu.dma_semaphore, #tpu.memory_space<semaphore_mem>>) {add = true}
        %dma_wait3A_98 = arith.constant 0 : i32
        %dma_wait3A_99 = arith.constant 0 : i32
        %dma_wait3A_100 = tpu.memref_slice %arg13[%dma_wait3A_98, %dma_wait3A_99] : memref<10240x128xf32, #tpu.memory_space<vmem_shared>> -> memref<10240x128xf32, #tpu.memory_space<vmem_shared>>
        tpu.wait_indirect_dma semaphore(%run_scoped3A : memref<!tpu.dma_semaphore, #tpu.memory_space<semaphore_mem>>) src(%arg12 : memref<112x128xf32, #tpu.memory_space<vmem>>) dst(%dma_wait3A_100 : memref<10240x128xf32, #tpu.memory_space<vmem_shared>>)
        tpu.yield
      }) : () -> ()
      %add3A_88 = arith.constant 2 : i32
      %add3A_89 = arith.addi %add3A_67, %add3A_88 : i32
      %lt3A_90 = arith.constant 92 : i32
      %lt3A_91 = arith.cmpi slt, %add3A_89, %lt3A_90 : i32
      %convert_element_type3A_92 = arith.extui %lt3A_91 : i1 to i32
      %cond3A_93 = arith.constant 0 : i32
      %cond3A_94 = arith.cmpi ne, %convert_element_type3A_92, %cond3A_93 : i32
      scf.if %cond3A_94 {
        %add3A_95 = arith.constant 2 : i32
        %add3A_96 = arith.addi %add3A_67, %add3A_95 : i32
        %mul3A_97 = arith.constant 112 : i32
        %mul3A_98 = arith.muli %add3A_96, %mul3A_97 : i32
        %add3A_99 = arith.addi %multiple_of3A_8, %mul3A_98 : i32
        %multiple_of3A_100 = tpu.assume_multiple %add3A_99, 8 : i32
        %dma_start3A_101 = tpu.memref_slice %arg3[%multiple_of3A_100] : memref<329728xi32, #tpu.memory_space<hbm>> -> memref<112xi32, #tpu.memory_space<hbm>>
        %dma_start3A_102 = tpu.memref_slice %arg3[%multiple_of3A_100] : memref<329728xi32, #tpu.memory_space<hbm>> -> memref<112xi32, #tpu.memory_space<hbm>>
        tpu.enqueue_dma source(%dma_start3A_102 : memref<112xi32, #tpu.memory_space<hbm>>) target(%arg8 : memref<112xi32, #tpu.memory_space<vmem>>) target_semaphore(%arg17 : memref<!tpu.dma_semaphore, #tpu.memory_space<semaphore_mem>>)
        %dma_start3A_103 = tpu.memref_slice %arg4[%multiple_of3A_100] : memref<329728xi32, #tpu.memory_space<hbm>> -> memref<112xi32, #tpu.memory_space<hbm>>
        %dma_start3A_104 = tpu.memref_slice %arg4[%multiple_of3A_100] : memref<329728xi32, #tpu.memory_space<hbm>> -> memref<112xi32, #tpu.memory_space<hbm>>
        tpu.enqueue_dma source(%dma_start3A_104 : memref<112xi32, #tpu.memory_space<hbm>>) target(%arg10 : memref<112xi32, #tpu.memory_space<vmem>>) target_semaphore(%arg17 : memref<!tpu.dma_semaphore, #tpu.memory_space<semaphore_mem>>)
      } else {
      }
    }
    %scan3A_25 = arith.constant 46 : i32
    %barrier3A_26 = arith.constant 0 : index
    tpu.barrier barrier_id(%barrier3A_26)
    %mul3A_27 = arith.constant 640 : i32
    %mul3A_28 = arith.muli %arg1, %mul3A_27 : i32
    %multiple_of3A_29 = tpu.assume_multiple %mul3A_28, 8 : i32
    %mul3A_30 = arith.constant 10240 : i32
    %mul3A_31 = arith.muli %arg0, %mul3A_30 : i32
    %mul3A_32 = arith.constant 640 : i32
    %mul3A_33 = arith.muli %arg1, %mul3A_32 : i32
    %add3A_34 = arith.addi %mul3A_31, %mul3A_33 : i32
    %multiple_of3A_35 = tpu.assume_multiple %add3A_34, 8 : i32
    "tpu.region"() ({
      %run_scoped3A = tpu.sem_alloc : memref<!tpu.dma_semaphore, #tpu.memory_space<semaphore_mem>>
      %dma_start3A_36 = arith.constant 0 : i32
      %dma_start3A_37 = tpu.memref_slice %arg6[%multiple_of3A_35, %dma_start3A_36] : memref<20480x128xf32, #tpu.memory_space<hbm>> -> memref<640x128xf32, #tpu.memory_space<hbm>>
      %dma_start3A_38 = arith.constant 0 : i32
      %dma_start3A_39 = tpu.memref_slice %arg13[%multiple_of3A_29, %dma_start3A_38] : memref<10240x128xf32, #tpu.memory_space<vmem_shared>> -> memref<640x128xf32, #tpu.memory_space<vmem_shared>>
      tpu.enqueue_dma source(%dma_start3A_39 : memref<640x128xf32, #tpu.memory_space<vmem_shared>>) target(%dma_start3A_37 : memref<640x128xf32, #tpu.memory_space<hbm>>) target_semaphore(%run_scoped3A : memref<!tpu.dma_semaphore, #tpu.memory_space<semaphore_mem>>)
      %dma_wait3A = arith.constant 0 : i32
      %dma_wait3A_40 = tpu.memref_slice %arg6[%multiple_of3A_35, %dma_wait3A] : memref<20480x128xf32, #tpu.memory_space<hbm>> -> memref<640x128xf32, #tpu.memory_space<hbm>>
      %dma_wait3A_41 = arith.constant 0 : i32
      %dma_wait3A_42 = tpu.memref_slice %arg13[%multiple_of3A_29, %dma_wait3A_41] : memref<10240x128xf32, #tpu.memory_space<vmem_shared>> -> memref<640x128xf32, #tpu.memory_space<vmem_shared>>
      tpu.wait_dma2 semaphore(%run_scoped3A : memref<!tpu.dma_semaphore, #tpu.memory_space<semaphore_mem>>) src(%dma_wait3A_42 : memref<640x128xf32, #tpu.memory_space<vmem_shared>>) dst(%dma_wait3A_40 : memref<640x128xf32, #tpu.memory_space<hbm>>)
      tpu.yield
    }) : () -> ()
    return
  }
}

module attributes {stable_mosaic.version = 14 : i64} {
  func.func @_tc_prep_body(%arg0: memref<10000x32xf32, #tpu.memory_space<vmem>>, %arg1: memref<10000x128xf32, #tpu.memory_space<vmem>>, %arg2: memref<128x64xf32, #tpu.memory_space<vmem>>, %arg3: memref<10000x128xf32, #tpu.memory_space<vmem>>, %arg4: memref<10000x1xf32, #tpu.memory_space<vmem>>) attributes {dimension_semantics = [], scalar_prefetch = 0 : i64, scratch_operands = 0 : i64, tpu.core_type = #tpu.core_type<tc>} {
    %get3A = arith.constant 0 : index
    %get3A_0 = arith.constant 0 : index
    %get3A_1 = vector.load %arg0[%get3A, %get3A_0] : memref<10000x32xf32, #tpu.memory_space<vmem>>, vector<10000x32xf32>
    %reduce_sum3A = arith.constant dense<0.000000e+00> : vector<10000xf32>
    %reduce_sum3A_2 = vector.multi_reduction <add>, %get3A_1, %reduce_sum3A [1] : vector<10000x32xf32> to vector<10000xf32>
    %broadcast_in_dim3A = vector.shape_cast %reduce_sum3A_2 : vector<10000xf32> to vector<10000x1xf32>
    %add3A = arith.constant 1.000000e+00 : f32
    %add3A_3 = vector.broadcast %add3A : f32 to vector<10000x1xf32>
    %add3A_4 = arith.addf %broadcast_in_dim3A, %add3A_3 : vector<10000x1xf32>
    %rsqrt3A = math.rsqrt %add3A_4 : vector<10000x1xf32>
    %get3A_5 = arith.constant 0 : index
    %get3A_6 = arith.constant 0 : index
    %get3A_7 = vector.load %arg1[%get3A_5, %get3A_6] : memref<10000x128xf32, #tpu.memory_space<vmem>>, vector<10000x128xf32>
    %get3A_8 = arith.constant 0 : index
    %get3A_9 = arith.constant 0 : index
    %get3A_10 = vector.load %arg2[%get3A_8, %get3A_9] : memref<128x64xf32, #tpu.memory_space<vmem>>, vector<128x64xf32>
    %dot_general3A = arith.constant dense<0.000000e+00> : vector<10000x64xf32>
    %dot_general3A_11 = tpu.matmul %get3A_7, %get3A_10, %dot_general3A {dimension_numbers = #tpu.dot_dimension_numbers<[1], [0], [0], [1], [0, 0, 1, 1], [], []>, transpose_lhs_hint = false} : vector<10000x128xf32>, vector<128x64xf32>, vector<10000x64xf32> -> vector<10000x64xf32>
    %mul3A = vector.broadcast %rsqrt3A : vector<10000x1xf32> to vector<10000x64xf32>
    %mul3A_12 = arith.mulf %dot_general3A_11, %mul3A : vector<10000x64xf32>
    %swap3A = arith.constant 0 : index
    %swap3A_13 = arith.constant 0 : index
    %swap3A_14 = vector.load %arg3[%swap3A, %swap3A_13] : memref<10000x128xf32, #tpu.memory_space<vmem>>, vector<10000x64xf32>
    tpu.vector_store %arg3[%swap3A, %swap3A_13], %mul3A_12 {strides = array<i32>} : memref<10000x128xf32, #tpu.memory_space<vmem>>, vector<10000x64xf32>,
    %broadcast_in_dim3A_15 = arith.constant 0.000000e+00 : f32
    %broadcast_in_dim3A_16 = vector.broadcast %broadcast_in_dim3A_15 : f32 to vector<10000x64xf32>
    %swap3A_17 = arith.constant 0 : index
    %swap3A_18 = arith.constant 64 : index
    %swap3A_19 = vector.load %arg3[%swap3A_17, %swap3A_18] : memref<10000x128xf32, #tpu.memory_space<vmem>>, vector<10000x64xf32>
    tpu.vector_store %arg3[%swap3A_17, %swap3A_18], %broadcast_in_dim3A_16 {strides = array<i32>} : memref<10000x128xf32, #tpu.memory_space<vmem>>, vector<10000x64xf32>,
    %swap3A_20 = arith.constant 0 : index
    %swap3A_21 = arith.constant 0 : index
    %swap3A_22 = vector.load %arg4[%swap3A_20, %swap3A_21] : memref<10000x1xf32, #tpu.memory_space<vmem>>, vector<10000x1xf32>
    tpu.vector_store %arg4[%swap3A_20, %swap3A_21], %rsqrt3A {strides = array<i32>} : memref<10000x1xf32, #tpu.memory_space<vmem>>, vector<10000x1xf32>,
    return
  }
}

module attributes {stable_mosaic.version = 14 : i64} {
  func.func @_tc_mid_body(%arg0: memref<20480x128xf32, #tpu.memory_space<vmem>>, %arg1: memref<10000x128xf32, #tpu.memory_space<vmem>>, %arg2: memref<10000x1xf32, #tpu.memory_space<vmem>>, %arg3: memref<1x64xf32, #tpu.memory_space<vmem>>, %arg4: memref<64x64xf32, #tpu.memory_space<vmem>>, %arg5: memref<10000x128xf32, #tpu.memory_space<vmem>>) attributes {dimension_semantics = [], scalar_prefetch = 0 : i64, scratch_operands = 0 : i64, tpu.core_type = #tpu.core_type<tc>} {
    %get3A = arith.constant 0 : index
    %get3A_0 = arith.constant 0 : index
    %get3A_1 = vector.load %arg2[%get3A, %get3A_0] : memref<10000x1xf32, #tpu.memory_space<vmem>>, vector<10000x1xf32>
    %get3A_2 = arith.constant 0 : index
    %get3A_3 = arith.constant 0 : index
    %get3A_4 = vector.load %arg0[%get3A_2, %get3A_3] : memref<20480x128xf32, #tpu.memory_space<vmem>>, vector<10000x64xf32>
    %get3A_5 = arith.constant 10240 : index
    %get3A_6 = arith.constant 0 : index
    %get3A_7 = vector.load %arg0[%get3A_5, %get3A_6] : memref<20480x128xf32, #tpu.memory_space<vmem>>, vector<10000x64xf32>
    %add3A = arith.addf %get3A_4, %get3A_7 : vector<10000x64xf32>
    %get3A_8 = arith.constant 0 : index
    %get3A_9 = arith.constant 0 : index
    %get3A_10 = vector.load %arg1[%get3A_8, %get3A_9] : memref<10000x128xf32, #tpu.memory_space<vmem>>, vector<10000x64xf32>
    %add3A_11 = arith.addf %add3A, %get3A_10 : vector<10000x64xf32>
    %mul3A = vector.broadcast %get3A_1 : vector<10000x1xf32> to vector<10000x64xf32>
    %mul3A_12 = arith.mulf %mul3A, %add3A_11 : vector<10000x64xf32>
    %get3A_13 = arith.constant 0 : index
    %get3A_14 = arith.constant 0 : index
    %get3A_15 = vector.load %arg3[%get3A_13, %get3A_14] : memref<1x64xf32, #tpu.memory_space<vmem>>, vector<1x64xf32>
    %add3A_16 = vector.broadcast %get3A_15 : vector<1x64xf32> to vector<10000x64xf32>
    %add3A_17 = arith.addf %mul3A_12, %add3A_16 : vector<10000x64xf32>
    %max3A = arith.constant 0.000000e+00 : f32
    %max3A_18 = vector.broadcast %max3A : f32 to vector<10000x64xf32>
    %max3A_19 = arith.maximumf %add3A_17, %max3A_18 : vector<10000x64xf32>
    %get3A_20 = arith.constant 0 : index
    %get3A_21 = arith.constant 0 : index
    %get3A_22 = vector.load %arg4[%get3A_20, %get3A_21] : memref<64x64xf32, #tpu.memory_space<vmem>>, vector<64x64xf32>
    %dot_general3A = arith.constant dense<0.000000e+00> : vector<10000x64xf32>
    %dot_general3A_23 = tpu.matmul %max3A_19, %get3A_22, %dot_general3A {dimension_numbers = #tpu.dot_dimension_numbers<[1], [0], [0], [1], [0, 0, 1, 1], [], []>, transpose_lhs_hint = false} : vector<10000x64xf32>, vector<64x64xf32>, vector<10000x64xf32> -> vector<10000x64xf32>
    %mul3A_24 = vector.broadcast %get3A_1 : vector<10000x1xf32> to vector<10000x64xf32>
    %mul3A_25 = arith.mulf %dot_general3A_23, %mul3A_24 : vector<10000x64xf32>
    %swap3A = arith.constant 0 : index
    %swap3A_26 = arith.constant 0 : index
    %swap3A_27 = vector.load %arg5[%swap3A, %swap3A_26] : memref<10000x128xf32, #tpu.memory_space<vmem>>, vector<10000x64xf32>
    tpu.vector_store %arg5[%swap3A, %swap3A_26], %mul3A_25 {strides = array<i32>} : memref<10000x128xf32, #tpu.memory_space<vmem>>, vector<10000x64xf32>,
    %broadcast_in_dim3A = arith.constant 0.000000e+00 : f32
    %broadcast_in_dim3A_28 = vector.broadcast %broadcast_in_dim3A : f32 to vector<10000x64xf32>
    %swap3A_29 = arith.constant 0 : index
    %swap3A_30 = arith.constant 64 : index
    %swap3A_31 = vector.load %arg5[%swap3A_29, %swap3A_30] : memref<10000x128xf32, #tpu.memory_space<vmem>>, vector<10000x64xf32>
    tpu.vector_store %arg5[%swap3A_29, %swap3A_30], %broadcast_in_dim3A_28 {strides = array<i32>} : memref<10000x128xf32, #tpu.memory_space<vmem>>, vector<10000x64xf32>,
    return
  }
}

module attributes {stable_mosaic.version = 14 : i64} {
  func.func @_tc_final_body(%arg0: memref<20480x128xf32, #tpu.memory_space<vmem>>, %arg1: memref<10000x128xf32, #tpu.memory_space<vmem>>, %arg2: memref<10000x1xf32, #tpu.memory_space<vmem>>, %arg3: memref<1x64xf32, #tpu.memory_space<vmem>>, %arg4: memref<10000x1xi32, #tpu.memory_space<vmem>>, %arg5: memref<64x10xf32, #tpu.memory_space<vmem>>, %arg6: memref<1x10xf32, #tpu.memory_space<vmem>>, %arg7: memref<16x10xf32, #tpu.memory_space<vmem>>) attributes {dimension_semantics = [], scalar_prefetch = 0 : i64, scratch_operands = 0 : i64, tpu.core_type = #tpu.core_type<tc>} {
    %get3A = arith.constant 0 : index
    %get3A_0 = arith.constant 0 : index
    %get3A_1 = vector.load %arg2[%get3A, %get3A_0] : memref<10000x1xf32, #tpu.memory_space<vmem>>, vector<10000x1xf32>
    %get3A_2 = arith.constant 0 : index
    %get3A_3 = arith.constant 0 : index
    %get3A_4 = vector.load %arg0[%get3A_2, %get3A_3] : memref<20480x128xf32, #tpu.memory_space<vmem>>, vector<10000x64xf32>
    %get3A_5 = arith.constant 10240 : index
    %get3A_6 = arith.constant 0 : index
    %get3A_7 = vector.load %arg0[%get3A_5, %get3A_6] : memref<20480x128xf32, #tpu.memory_space<vmem>>, vector<10000x64xf32>
    %add3A = arith.addf %get3A_4, %get3A_7 : vector<10000x64xf32>
    %get3A_8 = arith.constant 0 : index
    %get3A_9 = arith.constant 0 : index
    %get3A_10 = vector.load %arg1[%get3A_8, %get3A_9] : memref<10000x128xf32, #tpu.memory_space<vmem>>, vector<10000x64xf32>
    %add3A_11 = arith.addf %add3A, %get3A_10 : vector<10000x64xf32>
    %mul3A = vector.broadcast %get3A_1 : vector<10000x1xf32> to vector<10000x64xf32>
    %mul3A_12 = arith.mulf %mul3A, %add3A_11 : vector<10000x64xf32>
    %get3A_13 = arith.constant 0 : index
    %get3A_14 = arith.constant 0 : index
    %get3A_15 = vector.load %arg3[%get3A_13, %get3A_14] : memref<1x64xf32, #tpu.memory_space<vmem>>, vector<1x64xf32>
    %add3A_16 = vector.broadcast %get3A_15 : vector<1x64xf32> to vector<10000x64xf32>
    %add3A_17 = arith.addf %mul3A_12, %add3A_16 : vector<10000x64xf32>
    %max3A = arith.constant 0.000000e+00 : f32
    %max3A_18 = vector.broadcast %max3A : f32 to vector<10000x64xf32>
    %max3A_19 = arith.maximumf %add3A_17, %max3A_18 : vector<10000x64xf32>
    %iota3A = tpu.iota {dimensions = array<i32: 1>} : vector<1x16xi32>
    %get3A_20 = arith.constant 0 : index
    %get3A_21 = arith.constant 0 : index
    %get3A_22 = vector.load %arg4[%get3A_20, %get3A_21] : memref<10000x1xi32, #tpu.memory_space<vmem>>, vector<10000x1xi32>
    %eq3A = vector.broadcast %get3A_22 : vector<10000x1xi32> to vector<10000x16xi32>
    %eq3A_23 = vector.broadcast %iota3A : vector<1x16xi32> to vector<10000x16xi32>
    %eq3A_24 = arith.cmpi eq, %eq3A, %eq3A_23 : vector<10000x16xi32>
    %convert_element_type3A = arith.extui %eq3A_24 : vector<10000x16xi1> to vector<10000x16xi32>
    %convert_element_type3A_25 = arith.sitofp %convert_element_type3A : vector<10000x16xi32> to vector<10000x16xf32>
    %dot_general3A = arith.constant dense<0.000000e+00> : vector<16x64xf32>
    %dot_general3A_26 = tpu.matmul %convert_element_type3A_25, %max3A_19, %dot_general3A {dimension_numbers = #tpu.dot_dimension_numbers<[0], [0], [1], [1], [0, 1, 1, 1], [], []>, transpose_lhs_hint = false} : vector<10000x16xf32>, vector<10000x64xf32>, vector<16x64xf32> -> vector<16x64xf32>
    %reduce_sum3A = arith.constant dense<0.000000e+00> : vector<16xf32>
    %reduce_sum3A_27 = vector.multi_reduction <add>, %convert_element_type3A_25, %reduce_sum3A [0] : vector<10000x16xf32> to vector<16xf32>
    %broadcast_in_dim3A = vector.shape_cast %reduce_sum3A_27 : vector<16xf32> to vector<1x16xf32>
    %max3A_28 = arith.constant 1.000000e+00 : f32
    %max3A_29 = vector.broadcast %max3A_28 : f32 to vector<1x16xf32>
    %max3A_30 = arith.maximumf %broadcast_in_dim3A, %max3A_29 : vector<1x16xf32>
    %reshape3A = vector.shape_cast %max3A_30 : vector<1x16xf32> to vector<16x1xf32>
    %div3A = vector.broadcast %reshape3A : vector<16x1xf32> to vector<16x64xf32>
    %div3A_31 = arith.divf %dot_general3A_26, %div3A : vector<16x64xf32>
    %get3A_32 = arith.constant 0 : index
    %get3A_33 = arith.constant 0 : index
    %get3A_34 = vector.load %arg5[%get3A_32, %get3A_33] : memref<64x10xf32, #tpu.memory_space<vmem>>, vector<64x10xf32>
    %dot_general3A_35 = arith.constant dense<0.000000e+00> : vector<16x10xf32>
    %dot_general3A_36 = tpu.matmul %div3A_31, %get3A_34, %dot_general3A_35 {dimension_numbers = #tpu.dot_dimension_numbers<[1], [0], [0], [1], [0, 0, 1, 1], [], []>, transpose_lhs_hint = false} : vector<16x64xf32>, vector<64x10xf32>, vector<16x10xf32> -> vector<16x10xf32>
    %get3A_37 = arith.constant 0 : index
    %get3A_38 = arith.constant 0 : index
    %get3A_39 = vector.load %arg6[%get3A_37, %get3A_38] : memref<1x10xf32, #tpu.memory_space<vmem>>, vector<1x10xf32>
    %add3A_40 = vector.broadcast %get3A_39 : vector<1x10xf32> to vector<16x10xf32>
    %add3A_41 = arith.addf %dot_general3A_36, %add3A_40 : vector<16x10xf32>
    %swap3A = arith.constant 0 : index
    %swap3A_42 = arith.constant 0 : index
    %swap3A_43 = vector.load %arg7[%swap3A, %swap3A_42] : memref<16x10xf32, #tpu.memory_space<vmem>>, vector<16x10xf32>
    tpu.vector_store %arg7[%swap3A, %swap3A_42], %add3A_41 {strides = array<i32>} : memref<16x10xf32, #tpu.memory_space<vmem>>, vector<16x10xf32>,
    return
  }
}

</mosaic_0001>

<sc_bundles>
// kernel: kernel.11.cloned.1.call-start
scs
__scs_entry_jumppad:
0x0: {  	(pc) =	sbr.rel $0x88, $3  }
0x1: {  	(tag) =	ssettag $0x0;
	lr =	simm.s32 $0x1  }
0x2: {  	[smem:$0x3F98] =	sst lr;
	_ =	strace $0xD0000000  }
0x3: {  	_ = 	snop  }
0x4: {  	_ = 	snop  }
0x5: {  	_ = 	snop  }
0x6: {  	_ = 	snop  }
0x7: {  	_ = 	snop  }
__scs_overlays_trampoline_lowered:
0x8: {  	[smem:$0x3FA7] =	sst s0  }
0x9: {  	[smem:$0x3FA8] =	sst s1  }
0xa: {  	[smem:$0x3FA9] =	sst s2  }
0xb: {  	[smem:$0x3FAA] =	sst s3  }
0xc: {  	[smem:$0x3FAB] =	sst s4  }
0xd: {  	[smem:$0x3FAC] =	sst s5  }
0xe: {  	[smem:$0x3FAD] =	sst s6  }
0xf: {  	[smem:$0x3FAE] =	sst s7  }
0x10: {  	[smem:$0x3FAF] =	sst s8  }
0x11: {  	[smem:$0x3FB0] =	sst s9;
	s0 =	simm.s32 @!p0 $0x0  }
0x12: {  	s1 =	sld [smem:$0x3F96];
	s0 =	simm.s32 @p0 $0x1  }
0x13: {  	[smem:$0x3FB1] =	sst s0;
	s0 =	simm.s32 @!p1 $0x0  }
0x14: {  	s2 =	sld [smem:$0x3F95];
	s0 =	simm.s32 @p1 $0x1  }
0x15: {  	[smem:$0x3FB2] =	sst s0;
	s0 =	simm.s32 @!p2 $0x0  }
0x16: {  	s3 =	sld [smem:$0x3FDB];
	s0 =	simm.s32 @p2 $0x1  }
0x17: {  	s4 =	simm.s32 $0x1BF5;
	[smem:$0x3FB4] =	sst s0  }
0x18: {  	s0 =	sld [smem:$0x3F97];
	_ =	swait.ge [sflag:s4], $0x0  }
0x19: {  	s7 =	sld [smem:$0x3F98]  }
0x1a: {  	s8 =	sadd.s32 $0xFFFFE003, lr  }
0x1b: {  	s9 =	sadd.s32 $0xFFFFFEF7, lr;
	s5 =	simm.s32 $0xFFFFFFFF;
	p2 =	slt.u32 s8, $0xFFFFF086  }
0x1c: {  	p1 =	slt.u32 s9, $0xF7A;
	s5 =	simm.s32 @!p2 $0x0  }
0x1d: {  	s5 =	simm.s32 @p1 $0x1;
	p0 =	seq.s32 s7, s2  }
0x1e: {  	s7 =	smul.u32 @!p0 $0xF7A, s2;
	p2 =	seq.s32 @!p0 s5, $0x0  }
0x1f: {  	s9 =	smul.u32 $0xF7A, s1;
	s8 =	simm.s32 @!p0 $0x1BF5;
	p2 =	por !p2, p0  }
0x20: {  	[sflag:s8] =	ssyncset.s32 @!p0 $0xFFFFF086;
	s6 =	sadd.s32 @!p0 s3, s7;
	s7 =	simm.s32 @!p0 $0x108  }
0x21: {  	s3 =	sadd.s32 s3, s9;
	s6 =	sadd.s32 @!p0 $0x88, s6;
	s7 =	simm.s32 @p2 $0x1082  }
0x22: {  	[simem:s7], [sflag:s8] =	dma.local @!p0 [hbm:s6], $0xF7A  }
0x23: {  	s9 =	sor.u32 $0xD0000000, s2;
	s6 =	simm.s32 $0x108;
	_ =	swait.ge @!p0 [sflag:s8], $0x0  }
0x24: {  	s3 =	sadd.s32 $0x88, s3;
	s6 =	simm.s32 @!p1 $0x1082;
	[sflag:s4] =	ssyncset.s32 $0xFFFFF086  }
0x25: {  	[simem:s6], [sflag:s4] =	dma.local [hbm:s3], $0xF7A  }
0x26: {  	[smem:$0x3F98] =	sst s1;
	(tag) =	ssettag s2;
	_ =	strace s9  }
0x27: {  	s1 =	sld [smem:$0x3FA8]  }
0x28: {  	s2 =	sld [smem:$0x3FA9]  }
0x29: {  	s4 =	sld [smem:$0x3FAB]  }
0x2a: {  	p0 =	seq.s32 s5, $0x0;
	s5 =	sld [smem:$0x3FAC]  }
0x2b: {  	s6 =	sld [smem:$0x3FAD]  }
0x2c: {  	s7 =	sld [smem:$0x3FAE]  }
0x2d: {  	s3 =	simm.s32 $0x108;
	s8 =	sld [smem:$0x3FAF]  }
0x2e: {  	s3 =	simm.s32 @!p0 $0x1082;
	s9 =	sld [smem:$0x3FB0]  }
0x2f: {  	lr =	sadd.s32 s0, s3;
	s0 =	sld [smem:$0x3FA7]  }
0x30: {  	s3 =	sld [smem:$0x3FAA]  }
0x31: {  	[smem:$0x3FB3] =	sst s10  }
0x32: {  	s10 =	sld [smem:$0x3FB1];
	_ =	sdelay $0x3  }
0x33: {  	p0 =	seq.s32 s10, $0x1;
	s10 =	sld [smem:$0x3FB3];
	_ =	sdelay $0x3  }
0x34: {  	[smem:$0x3FB3] =	sst s10  }
0x35: {  	s10 =	sld [smem:$0x3FB2];
	_ =	sdelay $0x3  }
0x36: {  	p1 =	seq.s32 s10, $0x1;
	s10 =	sld [smem:$0x3FB3];
	_ =	sdelay $0x3  }
0x37: {  	[smem:$0x3FB3] =	sst s10  }
0x38: {  	s10 =	sld [smem:$0x3FB4]  }
0x39: {  	_ = 	snop;
	(pc) =	sbr.ind lr, $3  }
0x3a: {  	_ = 	snop  }
0x3b: {  	_ = 	snop  }
0x3c: {  	p2 =	seq.s32 s10, $0x1;
	s10 =	sld [smem:$0x3FB3]  }
0x3d: {  	_ =	shalt  }
0x3e: {  	_ =	shalt  }
0x3f: {  	_ =	shalt  }
0x40: {  	_ =	shalt  }
0x41: {  	_ =	shalt  }
0x42: {  	_ =	shalt  }
0x43: {  	_ =	shalt  }
0x44: {  	_ =	shalt  }
0x45: {  	_ =	shalt  }
0x46: {  	_ =	shalt  }
0x47: {  	_ =	shalt  }
0x48: {  	_ =	shalt  }
0x49: {  	_ =	shalt  }
0x4a: {  	_ =	shalt  }
0x4b: {  	_ =	shalt  }
0x4c: {  	_ =	shalt  }
0x4d: {  	_ =	shalt  }
0x4e: {  	_ =	shalt  }
0x4f: {  	_ =	shalt  }
0x50: {  	_ =	shalt  }
0x51: {  	_ =	shalt  }
0x52: {  	_ =	shalt  }
0x53: {  	_ =	shalt  }
0x54: {  	_ =	shalt  }
0x55: {  	_ =	shalt  }
0x56: {  	_ =	shalt  }
0x57: {  	_ =	shalt  }
0x58: {  	_ =	shalt  }
0x59: {  	_ =	shalt  }
0x5a: {  	_ =	shalt  }
0x5b: {  	_ =	shalt  }
0x5c: {  	_ =	shalt  }
0x5d: {  	_ =	shalt  }
0x5e: {  	_ =	shalt  }
0x5f: {  	_ =	shalt  }
0x60: {  	_ =	shalt  }
0x61: {  	_ =	shalt  }
0x62: {  	_ =	shalt  }
0x63: {  	_ =	shalt  }
0x64: {  	_ =	shalt  }
0x65: {  	_ =	shalt  }
0x66: {  	_ =	shalt  }
0x67: {  	_ =	shalt  }
0x68: {  	_ =	shalt  }
0x69: {  	_ =	shalt  }
0x6a: {  	_ =	shalt  }
0x6b: {  	_ =	shalt  }
0x6c: {  	_ =	shalt  }
0x6d: {  	_ =	shalt  }
0x6e: {  	_ =	shalt  }
0x6f: {  	_ =	shalt  }
0x70: {  	_ =	shalt  }
0x71: {  	_ =	shalt  }
0x72: {  	_ =	shalt  }
0x73: {  	_ =	shalt  }
0x74: {  	_ =	shalt  }
0x75: {  	_ =	shalt  }
0x76: {  	_ =	shalt  }
0x77: {  	_ =	shalt  }
0x78: {  	_ =	shalt  }
0x79: {  	_ =	shalt  }
0x7a: {  	_ =	shalt  }
0x7b: {  	_ =	shalt  }
0x7c: {  	_ =	shalt  }
0x7d: {  	_ =	shalt  }
0x7e: {  	_ =	shalt  }
0x7f: {  	_ =	shalt  }
0x80: {  	_ =	shalt  }
0x81: {  	_ =	shalt  }
0x82: {  	_ =	shalt  }
0x83: {  	_ =	shalt  }
0x84: {  	_ =	shalt  }
0x85: {  	_ =	shalt  }
0x86: {  	_ =	shalt  }
0x87: {  	_ =	shalt  }
.Lfunc_end0:
.L_simem_size_0:
called_computation.1_lowered:
.L_overlay_start_0:
0x88: {  	s2 =	sld [smem:$0x3FD9]  }
0x89: {  	s3 =	sld [smem:$0x3FFE];
	_ =	sdelay $0x1  }
0x8a: {  	s1 =	srdreg.scid  }
0x8b: {  	s0 =	sand.u32 $0x1, s1  }
0x8c: {  	s16 =	sshll.u32 s0, $0xA;
	s2 =	sadd.s32 s3, s2  }
0x8d: {  	s2 =	sadd.s32 s2, s16  }
0x8e: {  	[smem:$0x3FBF] =	sst s2  }
0x8f: {  	_ = 	snop  }
0x90: {  	(tm) =	ssettm $0x1  }
0x91: {  	s17 =	sld [smem:$0x3FFB];
	_ =	sdelay $0x3  }
0x92: {  	_ =	strace s17  }
0x93: {  	s2 =	sld [smem:$0x3FFC];
	_ =	sdelay $0x3  }
0x94: {  	_ =	strace s2  }
0x95: {  	s2 =	sld [smem:$0x3FFD];
	_ =	sdelay $0x3  }
0x96: {  	_ =	strace s2  }
0x97: {  	_ =	strace $0x8FFFFFFF  }
0x98: {  	s18 =	sld [smem:$0x3FDB];
	_ =	sdelay $0x1  }
0x99: {  	s19 =	simm.s32 $_scs_section_size  }
0x9a: {  	s4 =	simm.s32 $_size__tile_overlayer_lowered;
	s5 =	simm.s32 $_tile_overlayer_lowered  }
0x9b: {  	s22 =	simm.s32 $0x1BFF;
	s21 =	sshll.u32 s5, $0x1;
	s2 =	sadd.s32 s19, s18  }
0x9c: {  	s6 =	simm.s32 $0x0;
	s20 =	sshll.u32 s4, $0x1;
	s4 =	sadd.s32 s21, s2  }
0x9d: {  	[timem:s6], [sflag:s22] =	dma.local [hbm:s4], s20  }
0x9e: {  	_ =	swait.ge [sflag:s22], s20  }
0x9f: {  	s3 =	ssub.s32 $0x0, s20;
	[sflag:s22] =	ssyncset.done $0x0  }
0xa0: {  	[sflag:s22] =	ssyncadd.s32 s3;
	_ =	sdelay $0x1  }
0xa1: {  	s23 =	simm.s32 $0x1B8B  }
0xa2: {  	_ =	swait.ge [sflag:s23], $0x1  }
0xa3: {  	[sflag:s23] =	ssyncset.done $0x0  }
0xa4: {  	s25 =	simm.s32 $0x1B8E;
	s24 =	sld [smem:$0x3FFE];
	[sflag:s23] =	ssyncadd.s32 $0xFFFFFFFF  }
0xa5: {  	s26 =	simm.s32 $execute0_lowered;
	[smem:$0x3FD2] =	sst s25  }
0xa6: {  	s4 =	sshll.u32 s26, $0x1;
	_ =	strace $0x80000049;
	[dreg:$0x1] =	wrdreg $0xFFFFFFFF  }
0xa7: {  	s28 =	simm.s32 $_size_execute0_lowered;
	s2 =	sadd.s32 s2, s4;
	[dreg:$0x0] =	wrdreg $0x0  }
0xa8: {  	s4 =	sshll.u32 s28, $0x1;
	[dreg:$0x2] =	wrdreg s2  }
0xa9: {  	[dreg:$0x3] =	wrdreg s4  }
0xaa: {  	[dreg:$0x4] =	wrdreg $0xC0  }
0xab: {  	_ =	task [dreg:s6], $0x5FFFF  }
0xac: {  	[dreg:$0x1] =	wrdreg $0xFFFFFFFF  }
0xad: {  	[dreg:$0x0] =	wrdreg $0x60  }
0xae: {  	[dreg:$0x2] =	wrdreg s24  }
0xaf: {  	[dreg:$0x3] =	wrdreg $0x72000  }
0xb0: {  	[dreg:$0x4] =	wrdreg $0x9  }
0xb1: {  	_ =	task.clear_ibuf [dreg:s6], $0x5FFFF;
	_ =	strace $0x90000049  }
0xb2: {  	s29 =	simm.s32 $0x9;
	_ =	strace $0x8000004B  }
0xb3: {  	_ =	swait.ge [sflag:s29], $0x1  }
0xb4: {  	[sflag:s29] =	ssyncadd.s32 $0xFFFFFFFF  }
0xb5: {  	_ =	strace $0x9000004B  }
0xb6: {  	_ =	sfence  }
0xb7: {  	s30 =	sld [smem:$0x0];
	_ =	sdelay $0x2  }
0xb8: {  	s31 =	sshll.u32 s1, $0xD;
	s1 =	sshrl.u32 s1, $0x2  }
0xb9: {  	s3 =	sand.u32 $0x4000, s31;
	s1 =	sadd.s32 s1, s30  }
0xba: {  	s0 =	sor.u32 s3, s0;
	s1 =	sshll.u32 s1, $0x11  }
0xbb: {  	s0 =	sor.u32 s1, s0  }
0xbc: {  	s0 =	sadd.s32 $0x8F2B, s0  }
0xbd: {  	[sflag:s0] =	ssyncadd.remote.s32 $0x1  }
0xbe: {  	_ =	sfence.sel $0xFFFF  }
0xbf: {  	[dreg:$0x0] =	wrdreg $0xFFFFFFFF;
	(pc) =	sbr.abs _section_cstart, $3  }
0xc0: {  	[dreg:$0x1] =	wrdreg $0xFFFFFFFF  }
0xc1: {  	_ =	task.clear_ibuf [dreg:s6], $0x2FFFF;
	_ =	strace $0x9FFFFFFF  }
0xc2: {  	(tm) =	ssettm $0x7FFFFFFF  }
0xc3: {  	_ =	shalt  }
tec
execute0_lowered:
.L_overlay_start_1:
0x0: {  	(tag) =	ssettag $0x1  }
0x1: {  	s0 =	rddreg [dreg:$0x0]  }
0x2: {  	s2 =	rddreg [dreg:$0x1];
	s3 =	simm.s32 $0x0  }
0x3: {  	s12 =	stileid.u32;
	s1 =	srdreg.scid;
	s28 =	simm.s32 $0x3A00  }
0x4: {  	s29 =	simm.s32 $0x3;
	s30 =	simm.s32 $0x2;
	s31 =	simm.s32 $0x0  }
0x5: {  	[smem:$0x7FF] =	sst s3;
	s7 =	smul.u32 $0x2800, s12;
	s1 =	sand.u32 $0x1, s1  }
0x6: {  	s4 =	sadd.s32 $0x2AE00, s0;
	s5 =	sadd.s32 $0x16A00, s0;
	s19 =	smul.u32 $0x50000, s12  }
0x7: {  	s6 =	sadd.s32 $0x20C00, s0;
	s21 =	smul.u32 $0x2840, s12;
	s23 =	sshll.u32 s12, $0x6  }
0x8: {  	_ =	strace $0x8000004A;
	s8 =	smul.u32 $0x28000, s1;
	s10 =	sshll.u32 s1, $0x4  }
0x9: {  	s20 =	ssub.s32 $0x2, s1;
	s1 =	smul.u32 $0x28400, s1;
	s9 =	sadd.s32 s7, s0  }
0xa: {  	s10 =	sor.u32 s12, s10;
	s11 =	sshrl.u32 s20, $0x1;
	s7 =	sadd.s32 s7, s8  }
0xb: {  	s10 =	smul.u32 $0x2840, s10;
	s8 =	sshrl.u32 s19, $0x2;
	s22 =	sadd.s32 $0x52000, s9  }
0xc: {  	s1 =	sadd.s32 s21, s1;
	s19 =	simm.s32 $0x5;
	s21 =	simm.s32 $0x70  }
0xd: {  	s0 =	sadd.s32 s7, s0;
	s7 =	ssub.s32 s20, s11;
	s18 =	sadd.s32 s8, s2  }
0xe: {  	[dreg:$0x3] =	wrdreg s22;
	s8 =	sor.u32 $0x1C05, s23;
	s13 =	sadd.s32 $0x150, s1  }
0xf: {  	s17 =	sadd.s32 $0xE0, s1;
	s20 =	simm.s32 $0x100;
	s22 =	simm.s32 $0x200  }
0x10: {  	s23 =	simm.s32 $0x80;
	s24 =	sshrl.u32 s10, $0x3;
	s16 =	sshrl.u32 s13, $0x3  }
0x11: {  	s13 =	sadd.s32 $0x7A000, s0;
	s14 =	smax.u32 s7, $0x1;
	s18 =	sshrl.u32 s18, $0x3  }
0x12: {  	s25 =	sadd.s32 s5, s24;
	s26 =	sadd.s32 s6, s24;
	s12 =	sadd.s32 $0xE, s24  }
0x13: {  	s15 =	sadd.s32 s16, s6;
	s16 =	sadd.s32 s16, s5;
	[dreg:$0x4] =	wrdreg s25  }
0x14: {  	s24 =	simm.s32 $0x180;
	[dreg:$0x5] =	wrdreg s26;
	s11 =	sadd.s32 s5, s12  }
0x15: {  	s12 =	sadd.s32 s6, s12;
	s25 =	simm.s32 $0x4;
	s26 =	simm.s32 $0x1  }
.LBB2_1:
0x16: {  	s0 =	rddreg [dreg:$0x3]  }
0x17: {  	[spmem:s18], [sflag:s8] =	dma.local [hbm:s0], $0x2800  }
0x18: {  	_ =	swait.ge [sflag:s19], $0x2800  }
0x19: {  	[sflag:s19] =	ssyncset.done $0x0  }
0x1a: {  	[sflag:s19] =	ssyncadd.s32 $0xFFFFD800  }
0x1b: {  	[bflag:$0x0] =	sbarrier.arrive $0xFFFF  }
0x1c: {  	s1 =	rddreg [dreg:$0x4]  }
0x1d: {  	[tilespmem:s3], [sflag:$0x5] =	stream.linear.gather [hbm4b:s1+s3], $0x70, $0x38;
	[tilespmem:$0x1B200] =	vst v63  }
0x1e: {  	_ =	swait.ge [sflag:s19], $0x70  }
0x1f: {  	[sflag:s19] =	ssyncset.done $0x0  }
0x20: {  	s7 =	rddreg [dreg:$0x5];
	[sflag:s19] =	ssyncadd.s32 $0xFFFFFF90  }
0x21: {  	[tilespmem:s20], [sflag:$0x5] =	stream.linear.gather [hbm4b:s7+s3], $0x70, $0x38;
	[tilespmem:$0x1B200] =	vst v63  }
0x22: {  	_ =	swait.ge [sflag:s19], $0x70  }
0x23: {  	[sflag:s19] =	ssyncset.done $0x0  }
0x24: {  	[sflag:s19] =	ssyncadd.s32 $0xFFFFFF90  }
0x25: {  	[tilespmem:s22], [sflag:$0x1] =	stream.indirect.gather [hbm4b:s4+s21], $0x80, s3, s21, $0xb8;
	[tilespmem:$0x1B200] =	vst v63  }
0x26: {  	_ = 	snop  }
0x27: {  	[tilespmem:s23], [sflag:$0x4] =	stream.linear.gather [hbm4b:s11+s3], $0x70, $0x38;
	[tilespmem:$0x1B200] =	vst v63  }
0x28: {  	_ = 	snop  }
0x29: {  	[tilespmem:s24], [sflag:$0x4] =	stream.linear.gather [hbm4b:s12+s3], $0x70, $0x38;
	[tilespmem:$0x1B200] =	vst v63  }
0x2a: {  	_ =	swait.ge [sflag:s25], $0x70  }
0x2b: {  	[sflag:s25] =	ssyncset.done $0x0  }
0x2c: {  	[sflag:s25] =	ssyncadd.s32 $0xFFFFFF90  }
0x2d: {  	_ =	swait.ge [sflag:s25], $0x70  }
0x2e: {  	[sflag:s25] =	ssyncset.done $0x0  }
0x2f: {  	[sflag:s25] =	ssyncadd.s32 $0xFFFFFF90  }
0x30: {  	_ =	swait.ge [sflag:s26], $0x3800  }
0x31: {  	[sflag:s26] =	ssyncset.done $0x0  }
0x32: {  	[sflag:s26] =	ssyncadd.s32 $0xFFFFC800  }
0x33: {  	[tilespmem:s28], [sflag:$0x2] =	stream.indirect.gather [hbm4b:s4+s21], $0x80, s23, s21, $0xb8;
	[tilespmem:$0x1B200] =	vst v63  }
0x34: {  	_ = 	snop  }
0x35: {  	[spmem:s2] =	stream.indirect.scatter.add.f32 [tilespmem:s22], [sflag:$0x5], $0x80, s20, s21, $0xb8;
	[tilespmem:$0x1B200] =	vst v63  }
0x36: {  	_ =	swait.ge [sflag:s19], $0x3800  }
0x37: {  	s9 =	sshrl.u32 s17, $0x3;
	[sflag:s19] =	ssyncset.done $0x0  }
0x38: {  	s1 =	sadd.s32 s5, s9;
	[sflag:s19] =	ssyncadd.s32 $0xFFFFC800  }
0x39: {  	[tilespmem:s3], [sflag:$0x3] =	stream.linear.gather [hbm4b:s1+s3], $0x70, $0x38;
	[tilespmem:$0x1B200] =	vst v63  }
0x3a: {  	s0 =	sadd.s32 s6, s9  }
0x3b: {  	[tilespmem:s20], [sflag:$0x3] =	stream.linear.gather [hbm4b:s0+s3], $0x70, $0x38;
	[tilespmem:$0x1B200] =	vst v63  }
0x3c: {  	_ =	swait.ge [sflag:s29], $0x70  }
0x3d: {  	[sflag:s29] =	ssyncset.done $0x0  }
0x3e: {  	[sflag:s29] =	ssyncadd.s32 $0xFFFFFF90  }
0x3f: {  	_ =	swait.ge [sflag:s29], $0x70  }
0x40: {  	[sflag:s29] =	ssyncset.done $0x0  }
0x41: {  	[sflag:s29] =	ssyncadd.s32 $0xFFFFFF90  }
0x42: {  	_ =	swait.ge [sflag:s30], $0x3800  }
0x43: {  	[sflag:s30] =	ssyncset.done $0x0  }
0x44: {  	[sflag:s30] =	ssyncadd.s32 $0xFFFFC800  }
0x45: {  	[tilespmem:s22], [sflag:$0x1] =	stream.indirect.gather [hbm4b:s4+s21], $0x80, s3, s21, $0xb8;
	[tilespmem:$0x1B200] =	vst v63  }
0x46: {  	_ = 	snop  }
0x47: {  	[spmem:s2] =	stream.indirect.scatter.add.f32 [tilespmem:s28], [sflag:$0x5], $0x80, s24, s21, $0xb8;
	[tilespmem:$0x1B200] =	vst v63  }
0x48: {  	_ =	swait.ge [sflag:s19], $0x3800  }
0x49: {  	s10 =	sadd.s32 $0x0, s16;
	s7 =	sadd.s32 $0x0, s15;
	[sflag:s19] =	ssyncset.done $0x0  }
0x4a: {  	s1 =	sadd.s32 $0xE0, s17;
	s0 =	simm.s32 $0x1C;
	[sflag:s19] =	ssyncadd.s32 $0xFFFFC800  }
0x4b: {  	[tilespmem:s23], [sflag:$0x4] =	stream.linear.gather [hbm4b:s10+s3], $0x70, $0x38;
	[tilespmem:$0x1B200] =	vst v63  }
.LBB2_2:
0x4c: {  	[tilespmem:s24], [sflag:$0x4] =	stream.linear.gather [hbm4b:s7+s3], $0x70, $0x38;
	[tilespmem:$0x1B200] =	vst v63  }
0x4d: {  	s7 =	smov.u32 s0  }
0x4e: {  	p0 =	sne.s32 s0, $0x4D0;
	s0 =	sadd.s32 $0x1C, s0;
	_ =	swait.ge [sflag:s25], $0x70  }
0x4f: {  	[sflag:s25] =	ssyncset.done $0x0  }
0x50: {  	[sflag:s25] =	ssyncadd.s32 $0xFFFFFF90  }
0x51: {  	_ =	swait.ge [sflag:s25], $0x70  }
0x52: {  	[sflag:s25] =	ssyncset.done $0x0  }
0x53: {  	[sflag:s25] =	ssyncadd.s32 $0xFFFFFF90  }
0x54: {  	_ =	swait.ge [sflag:s26], $0x3800  }
0x55: {  	[sflag:s26] =	ssyncset.done $0x0  }
0x56: {  	[sflag:s26] =	ssyncadd.s32 $0xFFFFC800  }
0x57: {  	[tilespmem:s28], [sflag:$0x2] =	stream.indirect.gather [hbm4b:s4+s21], $0x80, s23, s21, $0xb8;
	[tilespmem:$0x1B200] =	vst v63  }
0x58: {  	_ = 	snop  }
0x59: {  	[spmem:s2] =	stream.indirect.scatter.add.f32 [tilespmem:s22], [sflag:$0x5], $0x80, s20, s21, $0xb8;
	[tilespmem:$0x1B200] =	vst v63  }
0x5a: {  	_ =	swait.ge [sflag:s19], $0x3800  }
0x5b: {  	s9 =	sshrl.u32 s1, $0x3;
	[sflag:s19] =	ssyncset.done $0x0  }
0x5c: {  	s10 =	sadd.s32 s5, s9;
	[sflag:s19] =	ssyncadd.s32 $0xFFFFC800  }
0x5d: {  	[tilespmem:s3], [sflag:$0x3] =	stream.linear.gather [hbm4b:s10+s3], $0x70, $0x38;
	[tilespmem:$0x1B200] =	vst v63  }
0x5e: {  	s9 =	sadd.s32 s6, s9  }
0x5f: {  	[tilespmem:s20], [sflag:$0x3] =	stream.linear.gather [hbm4b:s9+s3], $0x70, $0x38;
	[tilespmem:$0x1B200] =	vst v63  }
0x60: {  	_ =	swait.ge [sflag:s29], $0x70  }
0x61: {  	[sflag:s29] =	ssyncset.done $0x0  }
0x62: {  	[sflag:s29] =	ssyncadd.s32 $0xFFFFFF90  }
0x63: {  	_ =	swait.ge [sflag:s29], $0x70  }
0x64: {  	[sflag:s29] =	ssyncset.done $0x0  }
0x65: {  	[sflag:s29] =	ssyncadd.s32 $0xFFFFFF90  }
0x66: {  	_ =	swait.ge [sflag:s30], $0x3800  }
0x67: {  	[sflag:s30] =	ssyncset.done $0x0  }
0x68: {  	[sflag:s30] =	ssyncadd.s32 $0xFFFFC800  }
0x69: {  	[tilespmem:s22], [sflag:$0x1] =	stream.indirect.gather [hbm4b:s4+s21], $0x80, s3, s21, $0xb8;
	[tilespmem:$0x1B200] =	vst v63  }
0x6a: {  	_ = 	snop  }
0x6b: {  	[spmem:s2] =	stream.indirect.scatter.add.f32 [tilespmem:s28], [sflag:$0x5], $0x80, s24, s21, $0xb8;
	[tilespmem:$0x1B200] =	vst v63  }
.Ltmp0:
0x6c: {  	_ =	swait.ge [sflag:s19], $0x3800;
	(pc) =	sbr.rel @p0 .LBB2_2-.Ltmp0, $4  }
0x6d: {  	[sflag:s19] =	ssyncset.done $0x0  }
0x6e: {  	s9 =	sadd.s32 s7, s16;
	[sflag:s19] =	ssyncadd.s32 $0xFFFFC800  }
0x6f: {  	[tilespmem:s23], [sflag:$0x4] =	stream.linear.gather [hbm4b:s9+s3], $0x70, $0x38;
	[tilespmem:$0x1B200] =	vst v63  }
0x70: {  	s1 =	sadd.s32 $0xE0, s1;
	s7 =	sadd.s32 s7, s15  }
0x71: {  	[tilespmem:s24], [sflag:$0x4] =	stream.linear.gather [hbm4b:s7+s3], $0x70, $0x38;
	[tilespmem:$0x1B200] =	vst v63  }
0x72: {  	_ =	swait.ge [sflag:s25], $0x70  }
0x73: {  	[sflag:s25] =	ssyncset.done $0x0  }
0x74: {  	[sflag:s25] =	ssyncadd.s32 $0xFFFFFF90  }
0x75: {  	_ =	swait.ge [sflag:s25], $0x70  }
0x76: {  	[sflag:s25] =	ssyncset.done $0x0  }
0x77: {  	[sflag:s25] =	ssyncadd.s32 $0xFFFFFF90  }
0x78: {  	_ =	swait.ge [sflag:s26], $0x3800  }
0x79: {  	[sflag:s26] =	ssyncset.done $0x0  }
0x7a: {  	[sflag:s26] =	ssyncadd.s32 $0xFFFFC800  }
0x7b: {  	[tilespmem:s28], [sflag:$0x2] =	stream.indirect.gather [hbm4b:s4+s21], $0x80, s23, s21, $0xb8;
	[tilespmem:$0x1B200] =	vst v63  }
0x7c: {  	_ = 	snop  }
0x7d: {  	[spmem:s2] =	stream.indirect.scatter.add.f32 [tilespmem:s22], [sflag:$0x5], $0x80, s20, s21, $0xb8;
	[tilespmem:$0x1B200] =	vst v63  }
0x7e: {  	_ =	swait.ge [sflag:s19], $0x3800  }
0x7f: {  	[sflag:s19] =	ssyncset.done $0x0  }
0x80: {  	[sflag:s19] =	ssyncadd.s32 $0xFFFFC800  }
0x81: {  	_ =	swait.ge [sflag:s30], $0x3800  }
0x82: {  	[sflag:s30] =	ssyncset.done $0x0  }
0x83: {  	[sflag:s30] =	ssyncadd.s32 $0xFFFFC800  }
0x84: {  	[spmem:s2] =	stream.indirect.scatter.add.f32 [tilespmem:s28], [sflag:$0x5], $0x80, s24, s21, $0xb8;
	[tilespmem:$0x1B200] =	vst v63  }
0x85: {  	_ =	swait.ge [sflag:s19], $0x3800  }
0x86: {  	s31 =	sadd.s32 $0x1, s31;
	[sflag:s19] =	ssyncset.done $0x0  }
0x87: {  	p0 =	sne.s32 s31, s14;
	[sflag:s19] =	ssyncadd.s32 $0xFFFFC800  }
.Ltmp1:
0x88: {  	[bflag:$0x0] =	sbarrier.arrive $0xFFFF;
	(pc) =	sbr.rel @p0 .LBB2_1-.Ltmp1, $4  }
0x89: {  	[hbm:s13], [sflag:s8] =	dma.local [spmem:s18], $0x2800  }
0x8a: {  	_ =	swait.ge [sflag:s19], $0x2800  }
0x8b: {  	[sflag:s19] =	ssyncset.done $0x0  }
0x8c: {  	[sflag:s19] =	ssyncadd.s32 $0xFFFFD800  }
0x8d: {  	_ =	sfence.sel $0x180000  }
0x8e: {  	[bflag:$0x0] =	sbarrier.arrive $0xFFFF  }
0x8f: {  	_ =	strace $0x9000004A  }
0x90: {  	s0 =	stileid.u32;
	[bflag:$0x2] =	sbarrier.arrive $0xFFFF  }
0x91: {  	p0 =	sne.s32 s0, $0x0;
	s0 =	rddreg [dreg:$0x2]  }
0x92: {  	s0 =	sadd.s32 @!p0 $0x100000, s0  }
0x93: {  	[sflag:s0] =	ssyncadd.tile.s32 @!p0 $0x1;
	_ =	shalt  }
.Lfunc_end2:
_tile_overlayer_lowered:
.L_overlay_start_2:
0x94: {  	(tag) =	ssettag $0x2  }
0x95: {  	s0 =	rddreg [dreg:$0x0];
	s2 =	stileid.u32  }
0x96: {  	s1 =	rddreg [dreg:$0x1];
	p0 =	sne.s32 s2, $0x0  }
0x97: {  	s3 =	rddreg [dreg:$0x2];
	[bflag:$0x3] =	sbarrier.arrive $0xFFFF;
	s2 =	simm.s32 @!p0 $0x1C05  }
0x98: {  	[timem:s3], [sflag:s2] =	dma.local @!p0 [hbm:s0], s1  }
0x99: {  	s0 =	simm.s32 @!p0 $0x5  }
0x9a: {  	_ =	swait.ge @!p0 [sflag:s0], s1  }
0x9b: {  	s1 =	ssub.s32 @!p0 $0x0, s1;
	[sflag:s0] =	ssyncset.done @!p0 $0x0  }
0x9c: {  	[sflag:s0] =	ssyncadd.s32 @!p0 s1  }
0x9d: {  	[bflag:$0x3] =	sbarrier.arrive $0xFFFF  }
0x9e: {  	_ =	shalt  }

// kernel: kernel.14.cloned.1.call-start
scs
__scs_entry_jumppad:
0x0: {  	(pc) =	sbr.rel $0x88, $3  }
0x1: {  	(tag) =	ssettag $0x0;
	lr =	simm.s32 $0x1  }
0x2: {  	[smem:$0x3F98] =	sst lr;
	_ =	strace $0xD0000000  }
0x3: {  	_ = 	snop  }
0x4: {  	_ = 	snop  }
0x5: {  	_ = 	snop  }
0x6: {  	_ = 	snop  }
0x7: {  	_ = 	snop  }
__scs_overlays_trampoline_lowered:
0x8: {  	[smem:$0x3FA7] =	sst s0  }
0x9: {  	[smem:$0x3FA8] =	sst s1  }
0xa: {  	[smem:$0x3FA9] =	sst s2  }
0xb: {  	[smem:$0x3FAA] =	sst s3  }
0xc: {  	[smem:$0x3FAB] =	sst s4  }
0xd: {  	[smem:$0x3FAC] =	sst s5  }
0xe: {  	[smem:$0x3FAD] =	sst s6  }
0xf: {  	[smem:$0x3FAE] =	sst s7  }
0x10: {  	[smem:$0x3FAF] =	sst s8  }
0x11: {  	[smem:$0x3FB0] =	sst s9;
	s0 =	simm.s32 @!p0 $0x0  }
0x12: {  	s1 =	sld [smem:$0x3F96];
	s0 =	simm.s32 @p0 $0x1  }
0x13: {  	[smem:$0x3FB1] =	sst s0;
	s0 =	simm.s32 @!p1 $0x0  }
0x14: {  	s2 =	sld [smem:$0x3F95];
	s0 =	simm.s32 @p1 $0x1  }
0x15: {  	[smem:$0x3FB2] =	sst s0;
	s0 =	simm.s32 @!p2 $0x0  }
0x16: {  	s3 =	sld [smem:$0x3FDB];
	s0 =	simm.s32 @p2 $0x1  }
0x17: {  	s4 =	simm.s32 $0x1BF5;
	[smem:$0x3FB4] =	sst s0  }
0x18: {  	s0 =	sld [smem:$0x3F97];
	_ =	swait.ge [sflag:s4], $0x0  }
0x19: {  	s7 =	sld [smem:$0x3F98]  }
0x1a: {  	s8 =	sadd.s32 $0xFFFFE003, lr  }
0x1b: {  	s9 =	sadd.s32 $0xFFFFFEF7, lr;
	s5 =	simm.s32 $0xFFFFFFFF;
	p2 =	slt.u32 s8, $0xFFFFF086  }
0x1c: {  	p1 =	slt.u32 s9, $0xF7A;
	s5 =	simm.s32 @!p2 $0x0  }
0x1d: {  	s5 =	simm.s32 @p1 $0x1;
	p0 =	seq.s32 s7, s2  }
0x1e: {  	s7 =	smul.u32 @!p0 $0xF7A, s2;
	p2 =	seq.s32 @!p0 s5, $0x0  }
0x1f: {  	s9 =	smul.u32 $0xF7A, s1;
	s8 =	simm.s32 @!p0 $0x1BF5;
	p2 =	por !p2, p0  }
0x20: {  	[sflag:s8] =	ssyncset.s32 @!p0 $0xFFFFF086;
	s6 =	sadd.s32 @!p0 s3, s7;
	s7 =	simm.s32 @!p0 $0x108  }
0x21: {  	s3 =	sadd.s32 s3, s9;
	s6 =	sadd.s32 @!p0 $0x88, s6;
	s7 =	simm.s32 @p2 $0x1082  }
0x22: {  	[simem:s7], [sflag:s8] =	dma.local @!p0 [hbm:s6], $0xF7A  }
0x23: {  	s9 =	sor.u32 $0xD0000000, s2;
	s6 =	simm.s32 $0x108;
	_ =	swait.ge @!p0 [sflag:s8], $0x0  }
0x24: {  	s3 =	sadd.s32 $0x88, s3;
	s6 =	simm.s32 @!p1 $0x1082;
	[sflag:s4] =	ssyncset.s32 $0xFFFFF086  }
0x25: {  	[simem:s6], [sflag:s4] =	dma.local [hbm:s3], $0xF7A  }
0x26: {  	[smem:$0x3F98] =	sst s1;
	(tag) =	ssettag s2;
	_ =	strace s9  }
0x27: {  	s1 =	sld [smem:$0x3FA8]  }
0x28: {  	s2 =	sld [smem:$0x3FA9]  }
0x29: {  	s4 =	sld [smem:$0x3FAB]  }
0x2a: {  	p0 =	seq.s32 s5, $0x0;
	s5 =	sld [smem:$0x3FAC]  }
0x2b: {  	s6 =	sld [smem:$0x3FAD]  }
0x2c: {  	s7 =	sld [smem:$0x3FAE]  }
0x2d: {  	s3 =	simm.s32 $0x108;
	s8 =	sld [smem:$0x3FAF]  }
0x2e: {  	s3 =	simm.s32 @!p0 $0x1082;
	s9 =	sld [smem:$0x3FB0]  }
0x2f: {  	lr =	sadd.s32 s0, s3;
	s0 =	sld [smem:$0x3FA7]  }
0x30: {  	s3 =	sld [smem:$0x3FAA]  }
0x31: {  	[smem:$0x3FB3] =	sst s10  }
0x32: {  	s10 =	sld [smem:$0x3FB1];
	_ =	sdelay $0x3  }
0x33: {  	p0 =	seq.s32 s10, $0x1;
	s10 =	sld [smem:$0x3FB3];
	_ =	sdelay $0x3  }
0x34: {  	[smem:$0x3FB3] =	sst s10  }
0x35: {  	s10 =	sld [smem:$0x3FB2];
	_ =	sdelay $0x3  }
0x36: {  	p1 =	seq.s32 s10, $0x1;
	s10 =	sld [smem:$0x3FB3];
	_ =	sdelay $0x3  }
0x37: {  	[smem:$0x3FB3] =	sst s10  }
0x38: {  	s10 =	sld [smem:$0x3FB4]  }
0x39: {  	_ = 	snop;
	(pc) =	sbr.ind lr, $3  }
0x3a: {  	_ = 	snop  }
0x3b: {  	_ = 	snop  }
0x3c: {  	p2 =	seq.s32 s10, $0x1;
	s10 =	sld [smem:$0x3FB3]  }
0x3d: {  	_ =	shalt  }
0x3e: {  	_ =	shalt  }
0x3f: {  	_ =	shalt  }
0x40: {  	_ =	shalt  }
0x41: {  	_ =	shalt  }
0x42: {  	_ =	shalt  }
0x43: {  	_ =	shalt  }
0x44: {  	_ =	shalt  }
0x45: {  	_ =	shalt  }
0x46: {  	_ =	shalt  }
0x47: {  	_ =	shalt  }
0x48: {  	_ =	shalt  }
0x49: {  	_ =	shalt  }
0x4a: {  	_ =	shalt  }
0x4b: {  	_ =	shalt  }
0x4c: {  	_ =	shalt  }
0x4d: {  	_ =	shalt  }
0x4e: {  	_ =	shalt  }
0x4f: {  	_ =	shalt  }
0x50: {  	_ =	shalt  }
0x51: {  	_ =	shalt  }
0x52: {  	_ =	shalt  }
0x53: {  	_ =	shalt  }
0x54: {  	_ =	shalt  }
0x55: {  	_ =	shalt  }
0x56: {  	_ =	shalt  }
0x57: {  	_ =	shalt  }
0x58: {  	_ =	shalt  }
0x59: {  	_ =	shalt  }
0x5a: {  	_ =	shalt  }
0x5b: {  	_ =	shalt  }
0x5c: {  	_ =	shalt  }
0x5d: {  	_ =	shalt  }
0x5e: {  	_ =	shalt  }
0x5f: {  	_ =	shalt  }
0x60: {  	_ =	shalt  }
0x61: {  	_ =	shalt  }
0x62: {  	_ =	shalt  }
0x63: {  	_ =	shalt  }
0x64: {  	_ =	shalt  }
0x65: {  	_ =	shalt  }
0x66: {  	_ =	shalt  }
0x67: {  	_ =	shalt  }
0x68: {  	_ =	shalt  }
0x69: {  	_ =	shalt  }
0x6a: {  	_ =	shalt  }
0x6b: {  	_ =	shalt  }
0x6c: {  	_ =	shalt  }
0x6d: {  	_ =	shalt  }
0x6e: {  	_ =	shalt  }
0x6f: {  	_ =	shalt  }
0x70: {  	_ =	shalt  }
0x71: {  	_ =	shalt  }
0x72: {  	_ =	shalt  }
0x73: {  	_ =	shalt  }
0x74: {  	_ =	shalt  }
0x75: {  	_ =	shalt  }
0x76: {  	_ =	shalt  }
0x77: {  	_ =	shalt  }
0x78: {  	_ =	shalt  }
0x79: {  	_ =	shalt  }
0x7a: {  	_ =	shalt  }
0x7b: {  	_ =	shalt  }
0x7c: {  	_ =	shalt  }
0x7d: {  	_ =	shalt  }
0x7e: {  	_ =	shalt  }
0x7f: {  	_ =	shalt  }
0x80: {  	_ =	shalt  }
0x81: {  	_ =	shalt  }
0x82: {  	_ =	shalt  }
0x83: {  	_ =	shalt  }
0x84: {  	_ =	shalt  }
0x85: {  	_ =	shalt  }
0x86: {  	_ =	shalt  }
0x87: {  	_ =	shalt  }
.Lfunc_end0:
.L_simem_size_0:
called_computation.2_lowered:
.L_overlay_start_0:
0x88: {  	s2 =	sld [smem:$0x3FD9]  }
0x89: {  	s3 =	sld [smem:$0x3FFE];
	_ =	sdelay $0x1  }
0x8a: {  	s1 =	srdreg.scid  }
0x8b: {  	s0 =	sand.u32 $0x1, s1  }
0x8c: {  	s16 =	sshll.u32 s0, $0xA;
	s2 =	sadd.s32 s3, s2  }
0x8d: {  	s2 =	sadd.s32 s2, s16  }
0x8e: {  	[smem:$0x3FBF] =	sst s2  }
0x8f: {  	_ = 	snop  }
0x90: {  	(tm) =	ssettm $0x1  }
0x91: {  	s17 =	sld [smem:$0x3FFB];
	_ =	sdelay $0x3  }
0x92: {  	_ =	strace s17  }
0x93: {  	s2 =	sld [smem:$0x3FFC];
	_ =	sdelay $0x3  }
0x94: {  	_ =	strace s2  }
0x95: {  	s2 =	sld [smem:$0x3FFD];
	_ =	sdelay $0x3  }
0x96: {  	_ =	strace s2  }
0x97: {  	_ =	strace $0x8FFFFFFF  }
0x98: {  	s18 =	sld [smem:$0x3FDB];
	_ =	sdelay $0x1  }
0x99: {  	s19 =	simm.s32 $_scs_section_size  }
0x9a: {  	s4 =	simm.s32 $_size__tile_overlayer_lowered;
	s5 =	simm.s32 $_tile_overlayer_lowered  }
0x9b: {  	s22 =	simm.s32 $0x1BFF;
	s21 =	sshll.u32 s5, $0x1;
	s2 =	sadd.s32 s19, s18  }
0x9c: {  	s6 =	simm.s32 $0x0;
	s20 =	sshll.u32 s4, $0x1;
	s4 =	sadd.s32 s21, s2  }
0x9d: {  	[timem:s6], [sflag:s22] =	dma.local [hbm:s4], s20  }
0x9e: {  	_ =	swait.ge [sflag:s22], s20  }
0x9f: {  	s3 =	ssub.s32 $0x0, s20;
	[sflag:s22] =	ssyncset.done $0x0  }
0xa0: {  	[sflag:s22] =	ssyncadd.s32 s3;
	_ =	sdelay $0x1  }
0xa1: {  	s23 =	simm.s32 $0x1B8B  }
0xa2: {  	_ =	swait.ge [sflag:s23], $0x1  }
0xa3: {  	[sflag:s23] =	ssyncset.done $0x0  }
0xa4: {  	s25 =	simm.s32 $0x1B8E;
	s24 =	sld [smem:$0x3FFE];
	[sflag:s23] =	ssyncadd.s32 $0xFFFFFFFF  }
0xa5: {  	s26 =	simm.s32 $execute0_lowered;
	[smem:$0x3FD2] =	sst s25  }
0xa6: {  	s4 =	sshll.u32 s26, $0x1;
	_ =	strace $0x8000004C;
	[dreg:$0x1] =	wrdreg $0xFFFFFFFF  }
0xa7: {  	s28 =	simm.s32 $_size_execute0_lowered;
	s2 =	sadd.s32 s2, s4;
	[dreg:$0x0] =	wrdreg $0x0  }
0xa8: {  	s4 =	sshll.u32 s28, $0x1;
	[dreg:$0x2] =	wrdreg s2  }
0xa9: {  	[dreg:$0x3] =	wrdreg s4  }
0xaa: {  	[dreg:$0x4] =	wrdreg $0xC0  }
0xab: {  	_ =	task [dreg:s6], $0x5FFFF  }
0xac: {  	[dreg:$0x1] =	wrdreg $0xFFFFFFFF  }
0xad: {  	[dreg:$0x0] =	wrdreg $0x60  }
0xae: {  	[dreg:$0x2] =	wrdreg s24  }
0xaf: {  	[dreg:$0x3] =	wrdreg $0x72000  }
0xb0: {  	[dreg:$0x4] =	wrdreg $0x9  }
0xb1: {  	_ =	task.clear_ibuf [dreg:s6], $0x5FFFF;
	_ =	strace $0x9000004C  }
0xb2: {  	s29 =	simm.s32 $0x9;
	_ =	strace $0x8000004E  }
0xb3: {  	_ =	swait.ge [sflag:s29], $0x1  }
0xb4: {  	[sflag:s29] =	ssyncadd.s32 $0xFFFFFFFF  }
0xb5: {  	_ =	strace $0x9000004E  }
0xb6: {  	_ =	sfence  }
0xb7: {  	s30 =	sld [smem:$0x0];
	_ =	sdelay $0x2  }
0xb8: {  	s31 =	sshll.u32 s1, $0xD;
	s1 =	sshrl.u32 s1, $0x2  }
0xb9: {  	s3 =	sand.u32 $0x4000, s31;
	s1 =	sadd.s32 s1, s30  }
0xba: {  	s0 =	sor.u32 s3, s0;
	s1 =	sshll.u32 s1, $0x11  }
0xbb: {  	s0 =	sor.u32 s1, s0  }
0xbc: {  	s0 =	sadd.s32 $0x8F2B, s0  }
0xbd: {  	[sflag:s0] =	ssyncadd.remote.s32 $0x1  }
0xbe: {  	_ =	sfence.sel $0xFFFF  }
0xbf: {  	[dreg:$0x0] =	wrdreg $0xFFFFFFFF;
	(pc) =	sbr.abs _section_cstart, $3  }
0xc0: {  	[dreg:$0x1] =	wrdreg $0xFFFFFFFF  }
0xc1: {  	_ =	task.clear_ibuf [dreg:s6], $0x2FFFF;
	_ =	strace $0x9FFFFFFF  }
0xc2: {  	(tm) =	ssettm $0x7FFFFFFF  }
0xc3: {  	_ =	shalt  }
tec
execute0_lowered:
.L_overlay_start_1:
0x0: {  	(tag) =	ssettag $0x1  }
0x1: {  	s0 =	rddreg [dreg:$0x0]  }
0x2: {  	s2 =	rddreg [dreg:$0x1];
	s3 =	simm.s32 $0x0  }
0x3: {  	s12 =	stileid.u32;
	s1 =	srdreg.scid;
	s28 =	simm.s32 $0x3A00  }
0x4: {  	s29 =	simm.s32 $0x3;
	s30 =	simm.s32 $0x2;
	s31 =	simm.s32 $0x0  }
0x5: {  	[smem:$0x7FF] =	sst s3;
	s7 =	smul.u32 $0x2800, s12;
	s1 =	sand.u32 $0x1, s1  }
0x6: {  	s4 =	sadd.s32 $0x2AE00, s0;
	s5 =	sadd.s32 $0x16A00, s0;
	s19 =	smul.u32 $0x50000, s12  }
0x7: {  	s6 =	sadd.s32 $0x20C00, s0;
	s21 =	smul.u32 $0x2840, s12;
	s23 =	sshll.u32 s12, $0x6  }
0x8: {  	_ =	strace $0x8000004D;
	s8 =	smul.u32 $0x28000, s1;
	s10 =	sshll.u32 s1, $0x4  }
0x9: {  	s20 =	ssub.s32 $0x2, s1;
	s1 =	smul.u32 $0x28400, s1;
	s9 =	sadd.s32 s7, s0  }
0xa: {  	s10 =	sor.u32 s12, s10;
	s11 =	sshrl.u32 s20, $0x1;
	s7 =	sadd.s32 s7, s8  }
0xb: {  	s10 =	smul.u32 $0x2840, s10;
	s8 =	sshrl.u32 s19, $0x2;
	s22 =	sadd.s32 $0x52000, s9  }
0xc: {  	s1 =	sadd.s32 s21, s1;
	s19 =	simm.s32 $0x5;
	s21 =	simm.s32 $0x70  }
0xd: {  	s0 =	sadd.s32 s7, s0;
	s7 =	ssub.s32 s20, s11;
	s18 =	sadd.s32 s8, s2  }
0xe: {  	[dreg:$0x3] =	wrdreg s22;
	s8 =	sor.u32 $0x1C05, s23;
	s13 =	sadd.s32 $0x150, s1  }
0xf: {  	s17 =	sadd.s32 $0xE0, s1;
	s20 =	simm.s32 $0x100;
	s22 =	simm.s32 $0x200  }
0x10: {  	s23 =	simm.s32 $0x80;
	s24 =	sshrl.u32 s10, $0x3;
	s16 =	sshrl.u32 s13, $0x3  }
0x11: {  	s13 =	sadd.s32 $0x7A000, s0;
	s14 =	smax.u32 s7, $0x1;
	s18 =	sshrl.u32 s18, $0x3  }
0x12: {  	s25 =	sadd.s32 s5, s24;
	s26 =	sadd.s32 s6, s24;
	s12 =	sadd.s32 $0xE, s24  }
0x13: {  	s15 =	sadd.s32 s16, s6;
	s16 =	sadd.s32 s16, s5;
	[dreg:$0x4] =	wrdreg s25  }
0x14: {  	s24 =	simm.s32 $0x180;
	[dreg:$0x5] =	wrdreg s26;
	s11 =	sadd.s32 s5, s12  }
0x15: {  	s12 =	sadd.s32 s6, s12;
	s25 =	simm.s32 $0x4;
	s26 =	simm.s32 $0x1  }
.LBB2_1:
0x16: {  	s0 =	rddreg [dreg:$0x3]  }
0x17: {  	[spmem:s18], [sflag:s8] =	dma.local [hbm:s0], $0x2800  }
0x18: {  	_ =	swait.ge [sflag:s19], $0x2800  }
0x19: {  	[sflag:s19] =	ssyncset.done $0x0  }
0x1a: {  	[sflag:s19] =	ssyncadd.s32 $0xFFFFD800  }
0x1b: {  	[bflag:$0x0] =	sbarrier.arrive $0xFFFF  }
0x1c: {  	s1 =	rddreg [dreg:$0x4]  }
0x1d: {  	[tilespmem:s3], [sflag:$0x5] =	stream.linear.gather [hbm4b:s1+s3], $0x70, $0x38;
	[tilespmem:$0x1B200] =	vst v63  }
0x1e: {  	_ =	swait.ge [sflag:s19], $0x70  }
0x1f: {  	[sflag:s19] =	ssyncset.done $0x0  }
0x20: {  	s7 =	rddreg [dreg:$0x5];
	[sflag:s19] =	ssyncadd.s32 $0xFFFFFF90  }
0x21: {  	[tilespmem:s20], [sflag:$0x5] =	stream.linear.gather [hbm4b:s7+s3], $0x70, $0x38;
	[tilespmem:$0x1B200] =	vst v63  }
0x22: {  	_ =	swait.ge [sflag:s19], $0x70  }
0x23: {  	[sflag:s19] =	ssyncset.done $0x0  }
0x24: {  	[sflag:s19] =	ssyncadd.s32 $0xFFFFFF90  }
0x25: {  	[tilespmem:s22], [sflag:$0x1] =	stream.indirect.gather [hbm4b:s4+s21], $0x80, s3, s21, $0xb8;
	[tilespmem:$0x1B200] =	vst v63  }
0x26: {  	_ = 	snop  }
0x27: {  	[tilespmem:s23], [sflag:$0x4] =	stream.linear.gather [hbm4b:s11+s3], $0x70, $0x38;
	[tilespmem:$0x1B200] =	vst v63  }
0x28: {  	_ = 	snop  }
0x29: {  	[tilespmem:s24], [sflag:$0x4] =	stream.linear.gather [hbm4b:s12+s3], $0x70, $0x38;
	[tilespmem:$0x1B200] =	vst v63  }
0x2a: {  	_ =	swait.ge [sflag:s25], $0x70  }
0x2b: {  	[sflag:s25] =	ssyncset.done $0x0  }
0x2c: {  	[sflag:s25] =	ssyncadd.s32 $0xFFFFFF90  }
0x2d: {  	_ =	swait.ge [sflag:s25], $0x70  }
0x2e: {  	[sflag:s25] =	ssyncset.done $0x0  }
0x2f: {  	[sflag:s25] =	ssyncadd.s32 $0xFFFFFF90  }
0x30: {  	_ =	swait.ge [sflag:s26], $0x3800  }
0x31: {  	[sflag:s26] =	ssyncset.done $0x0  }
0x32: {  	[sflag:s26] =	ssyncadd.s32 $0xFFFFC800  }
0x33: {  	[tilespmem:s28], [sflag:$0x2] =	stream.indirect.gather [hbm4b:s4+s21], $0x80, s23, s21, $0xb8;
	[tilespmem:$0x1B200] =	vst v63  }
0x34: {  	_ = 	snop  }
0x35: {  	[spmem:s2] =	stream.indirect.scatter.add.f32 [tilespmem:s22], [sflag:$0x5], $0x80, s20, s21, $0xb8;
	[tilespmem:$0x1B200] =	vst v63  }
0x36: {  	_ =	swait.ge [sflag:s19], $0x3800  }
0x37: {  	s9 =	sshrl.u32 s17, $0x3;
	[sflag:s19] =	ssyncset.done $0x0  }
0x38: {  	s1 =	sadd.s32 s5, s9;
	[sflag:s19] =	ssyncadd.s32 $0xFFFFC800  }
0x39: {  	[tilespmem:s3], [sflag:$0x3] =	stream.linear.gather [hbm4b:s1+s3], $0x70, $0x38;
	[tilespmem:$0x1B200] =	vst v63  }
0x3a: {  	s0 =	sadd.s32 s6, s9  }
0x3b: {  	[tilespmem:s20], [sflag:$0x3] =	stream.linear.gather [hbm4b:s0+s3], $0x70, $0x38;
	[tilespmem:$0x1B200] =	vst v63  }
0x3c: {  	_ =	swait.ge [sflag:s29], $0x70  }
0x3d: {  	[sflag:s29] =	ssyncset.done $0x0  }
0x3e: {  	[sflag:s29] =	ssyncadd.s32 $0xFFFFFF90  }
0x3f: {  	_ =	swait.ge [sflag:s29], $0x70  }
0x40: {  	[sflag:s29] =	ssyncset.done $0x0  }
0x41: {  	[sflag:s29] =	ssyncadd.s32 $0xFFFFFF90  }
0x42: {  	_ =	swait.ge [sflag:s30], $0x3800  }
0x43: {  	[sflag:s30] =	ssyncset.done $0x0  }
0x44: {  	[sflag:s30] =	ssyncadd.s32 $0xFFFFC800  }
0x45: {  	[tilespmem:s22], [sflag:$0x1] =	stream.indirect.gather [hbm4b:s4+s21], $0x80, s3, s21, $0xb8;
	[tilespmem:$0x1B200] =	vst v63  }
0x46: {  	_ = 	snop  }
0x47: {  	[spmem:s2] =	stream.indirect.scatter.add.f32 [tilespmem:s28], [sflag:$0x5], $0x80, s24, s21, $0xb8;
	[tilespmem:$0x1B200] =	vst v63  }
0x48: {  	_ =	swait.ge [sflag:s19], $0x3800  }
0x49: {  	s10 =	sadd.s32 $0x0, s16;
	s7 =	sadd.s32 $0x0, s15;
	[sflag:s19] =	ssyncset.done $0x0  }
0x4a: {  	s1 =	sadd.s32 $0xE0, s17;
	s0 =	simm.s32 $0x1C;
	[sflag:s19] =	ssyncadd.s32 $0xFFFFC800  }
0x4b: {  	[tilespmem:s23], [sflag:$0x4] =	stream.linear.gather [hbm4b:s10+s3], $0x70, $0x38;
	[tilespmem:$0x1B200] =	vst v63  }
.LBB2_2:
0x4c: {  	[tilespmem:s24], [sflag:$0x4] =	stream.linear.gather [hbm4b:s7+s3], $0x70, $0x38;
	[tilespmem:$0x1B200] =	vst v63  }
0x4d: {  	s7 =	smov.u32 s0  }
0x4e: {  	p0 =	sne.s32 s0, $0x4D0;
	s0 =	sadd.s32 $0x1C, s0;
	_ =	swait.ge [sflag:s25], $0x70  }
0x4f: {  	[sflag:s25] =	ssyncset.done $0x0  }
0x50: {  	[sflag:s25] =	ssyncadd.s32 $0xFFFFFF90  }
0x51: {  	_ =	swait.ge [sflag:s25], $0x70  }
0x52: {  	[sflag:s25] =	ssyncset.done $0x0  }
0x53: {  	[sflag:s25] =	ssyncadd.s32 $0xFFFFFF90  }
0x54: {  	_ =	swait.ge [sflag:s26], $0x3800  }
0x55: {  	[sflag:s26] =	ssyncset.done $0x0  }
0x56: {  	[sflag:s26] =	ssyncadd.s32 $0xFFFFC800  }
0x57: {  	[tilespmem:s28], [sflag:$0x2] =	stream.indirect.gather [hbm4b:s4+s21], $0x80, s23, s21, $0xb8;
	[tilespmem:$0x1B200] =	vst v63  }
0x58: {  	_ = 	snop  }
0x59: {  	[spmem:s2] =	stream.indirect.scatter.add.f32 [tilespmem:s22], [sflag:$0x5], $0x80, s20, s21, $0xb8;
	[tilespmem:$0x1B200] =	vst v63  }
0x5a: {  	_ =	swait.ge [sflag:s19], $0x3800  }
0x5b: {  	s9 =	sshrl.u32 s1, $0x3;
	[sflag:s19] =	ssyncset.done $0x0  }
0x5c: {  	s10 =	sadd.s32 s5, s9;
	[sflag:s19] =	ssyncadd.s32 $0xFFFFC800  }
0x5d: {  	[tilespmem:s3], [sflag:$0x3] =	stream.linear.gather [hbm4b:s10+s3], $0x70, $0x38;
	[tilespmem:$0x1B200] =	vst v63  }
0x5e: {  	s9 =	sadd.s32 s6, s9  }
0x5f: {  	[tilespmem:s20], [sflag:$0x3] =	stream.linear.gather [hbm4b:s9+s3], $0x70, $0x38;
	[tilespmem:$0x1B200] =	vst v63  }
0x60: {  	_ =	swait.ge [sflag:s29], $0x70  }
0x61: {  	[sflag:s29] =	ssyncset.done $0x0  }
0x62: {  	[sflag:s29] =	ssyncadd.s32 $0xFFFFFF90  }
0x63: {  	_ =	swait.ge [sflag:s29], $0x70  }
0x64: {  	[sflag:s29] =	ssyncset.done $0x0  }
0x65: {  	[sflag:s29] =	ssyncadd.s32 $0xFFFFFF90  }
0x66: {  	_ =	swait.ge [sflag:s30], $0x3800  }
0x67: {  	[sflag:s30] =	ssyncset.done $0x0  }
0x68: {  	[sflag:s30] =	ssyncadd.s32 $0xFFFFC800  }
0x69: {  	[tilespmem:s22], [sflag:$0x1] =	stream.indirect.gather [hbm4b:s4+s21], $0x80, s3, s21, $0xb8;
	[tilespmem:$0x1B200] =	vst v63  }
0x6a: {  	_ = 	snop  }
0x6b: {  	[spmem:s2] =	stream.indirect.scatter.add.f32 [tilespmem:s28], [sflag:$0x5], $0x80, s24, s21, $0xb8;
	[tilespmem:$0x1B200] =	vst v63  }
.Ltmp0:
0x6c: {  	_ =	swait.ge [sflag:s19], $0x3800;
	(pc) =	sbr.rel @p0 .LBB2_2-.Ltmp0, $4  }
0x6d: {  	[sflag:s19] =	ssyncset.done $0x0  }
0x6e: {  	s9 =	sadd.s32 s7, s16;
	[sflag:s19] =	ssyncadd.s32 $0xFFFFC800  }
0x6f: {  	[tilespmem:s23], [sflag:$0x4] =	stream.linear.gather [hbm4b:s9+s3], $0x70, $0x38;
	[tilespmem:$0x1B200] =	vst v63  }
0x70: {  	s1 =	sadd.s32 $0xE0, s1;
	s7 =	sadd.s32 s7, s15  }
0x71: {  	[tilespmem:s24], [sflag:$0x4] =	stream.linear.gather [hbm4b:s7+s3], $0x70, $0x38;
	[tilespmem:$0x1B200] =	vst v63  }
0x72: {  	_ =	swait.ge [sflag:s25], $0x70  }
0x73: {  	[sflag:s25] =	ssyncset.done $0x0  }
0x74: {  	[sflag:s25] =	ssyncadd.s32 $0xFFFFFF90  }
0x75: {  	_ =	swait.ge [sflag:s25], $0x70  }
0x76: {  	[sflag:s25] =	ssyncset.done $0x0  }
0x77: {  	[sflag:s25] =	ssyncadd.s32 $0xFFFFFF90  }
0x78: {  	_ =	swait.ge [sflag:s26], $0x3800  }
0x79: {  	[sflag:s26] =	ssyncset.done $0x0  }
0x7a: {  	[sflag:s26] =	ssyncadd.s32 $0xFFFFC800  }
0x7b: {  	[tilespmem:s28], [sflag:$0x2] =	stream.indirect.gather [hbm4b:s4+s21], $0x80, s23, s21, $0xb8;
	[tilespmem:$0x1B200] =	vst v63  }
0x7c: {  	_ = 	snop  }
0x7d: {  	[spmem:s2] =	stream.indirect.scatter.add.f32 [tilespmem:s22], [sflag:$0x5], $0x80, s20, s21, $0xb8;
	[tilespmem:$0x1B200] =	vst v63  }
0x7e: {  	_ =	swait.ge [sflag:s19], $0x3800  }
0x7f: {  	[sflag:s19] =	ssyncset.done $0x0  }
0x80: {  	[sflag:s19] =	ssyncadd.s32 $0xFFFFC800  }
0x81: {  	_ =	swait.ge [sflag:s30], $0x3800  }
0x82: {  	[sflag:s30] =	ssyncset.done $0x0  }
0x83: {  	[sflag:s30] =	ssyncadd.s32 $0xFFFFC800  }
0x84: {  	[spmem:s2] =	stream.indirect.scatter.add.f32 [tilespmem:s28], [sflag:$0x5], $0x80, s24, s21, $0xb8;
	[tilespmem:$0x1B200] =	vst v63  }
0x85: {  	_ =	swait.ge [sflag:s19], $0x3800  }
0x86: {  	s31 =	sadd.s32 $0x1, s31;
	[sflag:s19] =	ssyncset.done $0x0  }
0x87: {  	p0 =	sne.s32 s31, s14;
	[sflag:s19] =	ssyncadd.s32 $0xFFFFC800  }
.Ltmp1:
0x88: {  	[bflag:$0x0] =	sbarrier.arrive $0xFFFF;
	(pc) =	sbr.rel @p0 .LBB2_1-.Ltmp1, $4  }
0x89: {  	[hbm:s13], [sflag:s8] =	dma.local [spmem:s18], $0x2800  }
0x8a: {  	_ =	swait.ge [sflag:s19], $0x2800  }
0x8b: {  	[sflag:s19] =	ssyncset.done $0x0  }
0x8c: {  	[sflag:s19] =	ssyncadd.s32 $0xFFFFD800  }
0x8d: {  	_ =	sfence.sel $0x180000  }
0x8e: {  	[bflag:$0x0] =	sbarrier.arrive $0xFFFF  }
0x8f: {  	_ =	strace $0x9000004D  }
0x90: {  	s0 =	stileid.u32;
	[bflag:$0x2] =	sbarrier.arrive $0xFFFF  }
0x91: {  	p0 =	sne.s32 s0, $0x0;
	s0 =	rddreg [dreg:$0x2]  }
0x92: {  	s0 =	sadd.s32 @!p0 $0x100000, s0  }
0x93: {  	[sflag:s0] =	ssyncadd.tile.s32 @!p0 $0x1;
	_ =	shalt  }
.Lfunc_end2:
_tile_overlayer_lowered:
.L_overlay_start_2:
0x94: {  	(tag) =	ssettag $0x2  }
0x95: {  	s0 =	rddreg [dreg:$0x0];
	s2 =	stileid.u32  }
0x96: {  	s1 =	rddreg [dreg:$0x1];
	p0 =	sne.s32 s2, $0x0  }
0x97: {  	s3 =	rddreg [dreg:$0x2];
	[bflag:$0x3] =	sbarrier.arrive $0xFFFF;
	s2 =	simm.s32 @!p0 $0x1C05  }
0x98: {  	[timem:s3], [sflag:s2] =	dma.local @!p0 [hbm:s0], s1  }
0x99: {  	s0 =	simm.s32 @!p0 $0x5  }
0x9a: {  	_ =	swait.ge @!p0 [sflag:s0], s1  }
0x9b: {  	s1 =	ssub.s32 @!p0 $0x0, s1;
	[sflag:s0] =	ssyncset.done @!p0 $0x0  }
0x9c: {  	[sflag:s0] =	ssyncadd.s32 @!p0 s1  }
0x9d: {  	[bflag:$0x3] =	sbarrier.arrive $0xFFFF  }
0x9e: {  	_ =	shalt  }

// kernel: kernel.8.cloned.1.call-start
scs
__scs_entry_jumppad:
0x0: {  	(pc) =	sbr.rel $0x88, $3  }
0x1: {  	(tag) =	ssettag $0x0;
	lr =	simm.s32 $0x1  }
0x2: {  	[smem:$0x3F98] =	sst lr;
	_ =	strace $0xD0000000  }
0x3: {  	_ = 	snop  }
0x4: {  	_ = 	snop  }
0x5: {  	_ = 	snop  }
0x6: {  	_ = 	snop  }
0x7: {  	_ = 	snop  }
__scs_overlays_trampoline_lowered:
0x8: {  	[smem:$0x3FA7] =	sst s0  }
0x9: {  	[smem:$0x3FA8] =	sst s1  }
0xa: {  	[smem:$0x3FA9] =	sst s2  }
0xb: {  	[smem:$0x3FAA] =	sst s3  }
0xc: {  	[smem:$0x3FAB] =	sst s4  }
0xd: {  	[smem:$0x3FAC] =	sst s5  }
0xe: {  	[smem:$0x3FAD] =	sst s6  }
0xf: {  	[smem:$0x3FAE] =	sst s7  }
0x10: {  	[smem:$0x3FAF] =	sst s8  }
0x11: {  	[smem:$0x3FB0] =	sst s9;
	s0 =	simm.s32 @!p0 $0x0  }
0x12: {  	s1 =	sld [smem:$0x3F96];
	s0 =	simm.s32 @p0 $0x1  }
0x13: {  	[smem:$0x3FB1] =	sst s0;
	s0 =	simm.s32 @!p1 $0x0  }
0x14: {  	s2 =	sld [smem:$0x3F95];
	s0 =	simm.s32 @p1 $0x1  }
0x15: {  	[smem:$0x3FB2] =	sst s0;
	s0 =	simm.s32 @!p2 $0x0  }
0x16: {  	s3 =	sld [smem:$0x3FDB];
	s0 =	simm.s32 @p2 $0x1  }
0x17: {  	s4 =	simm.s32 $0x1BF5;
	[smem:$0x3FB4] =	sst s0  }
0x18: {  	s0 =	sld [smem:$0x3F97];
	_ =	swait.ge [sflag:s4], $0x0  }
0x19: {  	s7 =	sld [smem:$0x3F98]  }
0x1a: {  	s8 =	sadd.s32 $0xFFFFE003, lr  }
0x1b: {  	s9 =	sadd.s32 $0xFFFFFEF7, lr;
	s5 =	simm.s32 $0xFFFFFFFF;
	p2 =	slt.u32 s8, $0xFFFFF086  }
0x1c: {  	p1 =	slt.u32 s9, $0xF7A;
	s5 =	simm.s32 @!p2 $0x0  }
0x1d: {  	s5 =	simm.s32 @p1 $0x1;
	p0 =	seq.s32 s7, s2  }
0x1e: {  	s7 =	smul.u32 @!p0 $0xF7A, s2;
	p2 =	seq.s32 @!p0 s5, $0x0  }
0x1f: {  	s9 =	smul.u32 $0xF7A, s1;
	s8 =	simm.s32 @!p0 $0x1BF5;
	p2 =	por !p2, p0  }
0x20: {  	[sflag:s8] =	ssyncset.s32 @!p0 $0xFFFFF086;
	s6 =	sadd.s32 @!p0 s3, s7;
	s7 =	simm.s32 @!p0 $0x108  }
0x21: {  	s3 =	sadd.s32 s3, s9;
	s6 =	sadd.s32 @!p0 $0x88, s6;
	s7 =	simm.s32 @p2 $0x1082  }
0x22: {  	[simem:s7], [sflag:s8] =	dma.local @!p0 [hbm:s6], $0xF7A  }
0x23: {  	s9 =	sor.u32 $0xD0000000, s2;
	s6 =	simm.s32 $0x108;
	_ =	swait.ge @!p0 [sflag:s8], $0x0  }
0x24: {  	s3 =	sadd.s32 $0x88, s3;
	s6 =	simm.s32 @!p1 $0x1082;
	[sflag:s4] =	ssyncset.s32 $0xFFFFF086  }
0x25: {  	[simem:s6], [sflag:s4] =	dma.local [hbm:s3], $0xF7A  }
0x26: {  	[smem:$0x3F98] =	sst s1;
	(tag) =	ssettag s2;
	_ =	strace s9  }
0x27: {  	s1 =	sld [smem:$0x3FA8]  }
0x28: {  	s2 =	sld [smem:$0x3FA9]  }
0x29: {  	s4 =	sld [smem:$0x3FAB]  }
0x2a: {  	p0 =	seq.s32 s5, $0x0;
	s5 =	sld [smem:$0x3FAC]  }
0x2b: {  	s6 =	sld [smem:$0x3FAD]  }
0x2c: {  	s7 =	sld [smem:$0x3FAE]  }
0x2d: {  	s3 =	simm.s32 $0x108;
	s8 =	sld [smem:$0x3FAF]  }
0x2e: {  	s3 =	simm.s32 @!p0 $0x1082;
	s9 =	sld [smem:$0x3FB0]  }
0x2f: {  	lr =	sadd.s32 s0, s3;
	s0 =	sld [smem:$0x3FA7]  }
0x30: {  	s3 =	sld [smem:$0x3FAA]  }
0x31: {  	[smem:$0x3FB3] =	sst s10  }
0x32: {  	s10 =	sld [smem:$0x3FB1];
	_ =	sdelay $0x3  }
0x33: {  	p0 =	seq.s32 s10, $0x1;
	s10 =	sld [smem:$0x3FB3];
	_ =	sdelay $0x3  }
0x34: {  	[smem:$0x3FB3] =	sst s10  }
0x35: {  	s10 =	sld [smem:$0x3FB2];
	_ =	sdelay $0x3  }
0x36: {  	p1 =	seq.s32 s10, $0x1;
	s10 =	sld [smem:$0x3FB3];
	_ =	sdelay $0x3  }
0x37: {  	[smem:$0x3FB3] =	sst s10  }
0x38: {  	s10 =	sld [smem:$0x3FB4]  }
0x39: {  	_ = 	snop;
	(pc) =	sbr.ind lr, $3  }
0x3a: {  	_ = 	snop  }
0x3b: {  	_ = 	snop  }
0x3c: {  	p2 =	seq.s32 s10, $0x1;
	s10 =	sld [smem:$0x3FB3]  }
0x3d: {  	_ =	shalt  }
0x3e: {  	_ =	shalt  }
0x3f: {  	_ =	shalt  }
0x40: {  	_ =	shalt  }
0x41: {  	_ =	shalt  }
0x42: {  	_ =	shalt  }
0x43: {  	_ =	shalt  }
0x44: {  	_ =	shalt  }
0x45: {  	_ =	shalt  }
0x46: {  	_ =	shalt  }
0x47: {  	_ =	shalt  }
0x48: {  	_ =	shalt  }
0x49: {  	_ =	shalt  }
0x4a: {  	_ =	shalt  }
0x4b: {  	_ =	shalt  }
0x4c: {  	_ =	shalt  }
0x4d: {  	_ =	shalt  }
0x4e: {  	_ =	shalt  }
0x4f: {  	_ =	shalt  }
0x50: {  	_ =	shalt  }
0x51: {  	_ =	shalt  }
0x52: {  	_ =	shalt  }
0x53: {  	_ =	shalt  }
0x54: {  	_ =	shalt  }
0x55: {  	_ =	shalt  }
0x56: {  	_ =	shalt  }
0x57: {  	_ =	shalt  }
0x58: {  	_ =	shalt  }
0x59: {  	_ =	shalt  }
0x5a: {  	_ =	shalt  }
0x5b: {  	_ =	shalt  }
0x5c: {  	_ =	shalt  }
0x5d: {  	_ =	shalt  }
0x5e: {  	_ =	shalt  }
0x5f: {  	_ =	shalt  }
0x60: {  	_ =	shalt  }
0x61: {  	_ =	shalt  }
0x62: {  	_ =	shalt  }
0x63: {  	_ =	shalt  }
0x64: {  	_ =	shalt  }
0x65: {  	_ =	shalt  }
0x66: {  	_ =	shalt  }
0x67: {  	_ =	shalt  }
0x68: {  	_ =	shalt  }
0x69: {  	_ =	shalt  }
0x6a: {  	_ =	shalt  }
0x6b: {  	_ =	shalt  }
0x6c: {  	_ =	shalt  }
0x6d: {  	_ =	shalt  }
0x6e: {  	_ =	shalt  }
0x6f: {  	_ =	shalt  }
0x70: {  	_ =	shalt  }
0x71: {  	_ =	shalt  }
0x72: {  	_ =	shalt  }
0x73: {  	_ =	shalt  }
0x74: {  	_ =	shalt  }
0x75: {  	_ =	shalt  }
0x76: {  	_ =	shalt  }
0x77: {  	_ =	shalt  }
0x78: {  	_ =	shalt  }
0x79: {  	_ =	shalt  }
0x7a: {  	_ =	shalt  }
0x7b: {  	_ =	shalt  }
0x7c: {  	_ =	shalt  }
0x7d: {  	_ =	shalt  }
0x7e: {  	_ =	shalt  }
0x7f: {  	_ =	shalt  }
0x80: {  	_ =	shalt  }
0x81: {  	_ =	shalt  }
0x82: {  	_ =	shalt  }
0x83: {  	_ =	shalt  }
0x84: {  	_ =	shalt  }
0x85: {  	_ =	shalt  }
0x86: {  	_ =	shalt  }
0x87: {  	_ =	shalt  }
.Lfunc_end0:
.L_simem_size_0:
called_computation_lowered:
.L_overlay_start_0:
0x88: {  	s2 =	sld [smem:$0x3FD9]  }
0x89: {  	s3 =	sld [smem:$0x3FFE];
	_ =	sdelay $0x1  }
0x8a: {  	s1 =	srdreg.scid  }
0x8b: {  	s0 =	sand.u32 $0x1, s1  }
0x8c: {  	s16 =	sshll.u32 s0, $0xA;
	s2 =	sadd.s32 s3, s2  }
0x8d: {  	s2 =	sadd.s32 s2, s16  }
0x8e: {  	[smem:$0x3FBF] =	sst s2  }
0x8f: {  	_ = 	snop  }
0x90: {  	(tm) =	ssettm $0x1  }
0x91: {  	s17 =	sld [smem:$0x3FFB];
	_ =	sdelay $0x3  }
0x92: {  	_ =	strace s17  }
0x93: {  	s2 =	sld [smem:$0x3FFC];
	_ =	sdelay $0x3  }
0x94: {  	_ =	strace s2  }
0x95: {  	s2 =	sld [smem:$0x3FFD];
	_ =	sdelay $0x3  }
0x96: {  	_ =	strace s2  }
0x97: {  	_ =	strace $0x8FFFFFFF  }
0x98: {  	s18 =	sld [smem:$0x3FDB];
	_ =	sdelay $0x1  }
0x99: {  	s19 =	simm.s32 $_scs_section_size  }
0x9a: {  	s4 =	simm.s32 $_size__tile_overlayer_lowered;
	s5 =	simm.s32 $_tile_overlayer_lowered  }
0x9b: {  	s22 =	simm.s32 $0x1BFF;
	s21 =	sshll.u32 s5, $0x1;
	s2 =	sadd.s32 s19, s18  }
0x9c: {  	s6 =	simm.s32 $0x0;
	s20 =	sshll.u32 s4, $0x1;
	s4 =	sadd.s32 s21, s2  }
0x9d: {  	[timem:s6], [sflag:s22] =	dma.local [hbm:s4], s20  }
0x9e: {  	_ =	swait.ge [sflag:s22], s20  }
0x9f: {  	s3 =	ssub.s32 $0x0, s20;
	[sflag:s22] =	ssyncset.done $0x0  }
0xa0: {  	[sflag:s22] =	ssyncadd.s32 s3;
	_ =	sdelay $0x1  }
0xa1: {  	s23 =	simm.s32 $0x1B8B  }
0xa2: {  	_ =	swait.ge [sflag:s23], $0x1  }
0xa3: {  	[sflag:s23] =	ssyncset.done $0x0  }
0xa4: {  	s25 =	simm.s32 $0x1B8E;
	s24 =	sld [smem:$0x3FFE];
	[sflag:s23] =	ssyncadd.s32 $0xFFFFFFFF  }
0xa5: {  	s26 =	simm.s32 $execute0_lowered;
	[smem:$0x3FD2] =	sst s25  }
0xa6: {  	s4 =	sshll.u32 s26, $0x1;
	_ =	strace $0x80000046;
	[dreg:$0x1] =	wrdreg $0xFFFFFFFF  }
0xa7: {  	s28 =	simm.s32 $_size_execute0_lowered;
	s2 =	sadd.s32 s2, s4;
	[dreg:$0x0] =	wrdreg $0x0  }
0xa8: {  	s4 =	sshll.u32 s28, $0x1;
	[dreg:$0x2] =	wrdreg s2  }
0xa9: {  	[dreg:$0x3] =	wrdreg s4  }
0xaa: {  	[dreg:$0x4] =	wrdreg $0xC0  }
0xab: {  	_ =	task [dreg:s6], $0x5FFFF  }
0xac: {  	[dreg:$0x1] =	wrdreg $0xFFFFFFFF  }
0xad: {  	[dreg:$0x0] =	wrdreg $0x60  }
0xae: {  	[dreg:$0x2] =	wrdreg s24  }
0xaf: {  	[dreg:$0x3] =	wrdreg $0x9  }
0xb0: {  	_ =	task.clear_ibuf [dreg:s6], $0x4FFFF;
	_ =	strace $0x90000046  }
0xb1: {  	s29 =	simm.s32 $0x9;
	_ =	strace $0x80000048  }
0xb2: {  	_ =	swait.ge [sflag:s29], $0x1  }
0xb3: {  	[sflag:s29] =	ssyncadd.s32 $0xFFFFFFFF  }
0xb4: {  	_ =	strace $0x90000048  }
0xb5: {  	_ =	sfence  }
0xb6: {  	s30 =	sld [smem:$0x0];
	_ =	sdelay $0x2  }
0xb7: {  	s31 =	sshll.u32 s1, $0xD;
	s1 =	sshrl.u32 s1, $0x2  }
0xb8: {  	s3 =	sand.u32 $0x4000, s31;
	s1 =	sadd.s32 s1, s30  }
0xb9: {  	s0 =	sor.u32 s3, s0;
	s1 =	sshll.u32 s1, $0x11  }
0xba: {  	s0 =	sor.u32 s1, s0  }
0xbb: {  	s0 =	sadd.s32 $0x8F2B, s0  }
0xbc: {  	[sflag:s0] =	ssyncadd.remote.s32 $0x1  }
0xbd: {  	_ =	sfence.sel $0xFFFF  }
0xbe: {  	[dreg:$0x0] =	wrdreg $0xFFFFFFFF;
	(pc) =	sbr.abs _section_cstart, $3  }
0xbf: {  	[dreg:$0x1] =	wrdreg $0xFFFFFFFF  }
0xc0: {  	_ =	task.clear_ibuf [dreg:s6], $0x2FFFF;
	_ =	strace $0x9FFFFFFF  }
0xc1: {  	(tm) =	ssettm $0x7FFFFFFF  }
tec
execute0_lowered:
.L_overlay_start_1:
0x0: {  	(tag) =	ssettag $0x1  }
0x1: {  	s0 =	srdreg.scid  }
0x2: {  	s4 =	rddreg [dreg:$0x0];
	s1 =	stileid.u32;
	s3 =	sand.u32 $0x1, s0  }
0x3: {  	s2 =	simm.s32 $0x0;
	s8 =	simm.s32 $0x1;
	s5 =	sshll.u32 s3, $0x4  }
0x4: {  	s9 =	simm.s32 $0x0;
	s0 =	rddreg [dreg:$0x1];
	s5 =	sor.u32 s1, s5  }
0x5: {  	[smem:$0x7FF] =	sst s2;
	s6 =	ssub.s32 $0x2, s3;
	s5 =	smul.u32 $0x4E2, s5  }
0x6: {  	_ =	strace $0x80000047;
	s3 =	sadd.s32 $0xC600, s4;
	s7 =	sshrl.u32 s6, $0x1  }
0x7: {  	s6 =	ssub.s32 s6, s7;
	s7 =	simm.s32 $0x2780;
	s5 =	sadd.s32 s5, s4  }
0x8: {  	v0 =	vimm.f32 $1.000000000e+00;
	s6 =	smax.u32 s6, $0x1;
	s4 =	sadd.s32 $0x2800, s5;
	s5 =	sadd.s32 $0xCC00, s5  }
.LBB2_1:
0x9: {  	[tilespmem:s7], [sflag:$0x1] =	stream.linear.gather [hbm4b:s3+s2], $0x2780, $0x38;
	[tilespmem:$0x4F00] =	vst v63  }
0xa: {  	_ =	swait.ge [sflag:s8], $0x2780  }
0xb: {  	[sflag:s8] =	ssyncset.done $0x0  }
0xc: {  	[sflag:s8] =	ssyncadd.s32 $0xFFFFD880  }
0xd: {  	[tilespmem:s2], [sflag:$0x1] =	stream.linear.gather [hbm4b:s4+s2], $0x2710, $0x38;
	[tilespmem:$0x4F00] =	vst v63  }
0xe: {  	_ =	swait.ge [sflag:s8], $0x2710  }
0xf: {  	[sflag:s8] =	ssyncset.done $0x0  }
0x10: {  	s11 =	simm.s32 $0x0;
	s10 =	simm.s32 $0x40;
	[sflag:s8] =	ssyncadd.s32 $0xFFFFD8F0  }
.LBB2_2:
0x11: {  	p0 =	sne.s32 s10, $0x9C00;
	v1 =	vld [tilespmem:s11+$0x0];
	_ =	sdelay $0x3  }
.Ltmp0:
0x12: {  	(pc) =	sbr.rel @p0 .LBB2_2-.Ltmp0, $2  }
0x13: {  	_ =	sdelay $0x2  }
0x14: {  	s11 =	sshra.s32 s10, $0x2;
	s10 =	sadd.s32 $0x40, s10;
	[tilespmem:v1+s7+$0x0] =	vst.idx.add.f32.msk $0xffff, v0  }
0x15: {  	v1 =	vld [tilespmem:s11+$0x0];
	_ =	sdelay $0x5  }
0x16: {  	s9 =	sadd.s32 $0x1, s9  }
0x17: {  	p0 =	sne.s32 s9, s6  }
.Ltmp1:
0x18: {  	[tilespmem:v1+s7+$0x0] =	vst.idx.add.f32.msk $0xffff, v0;
	(pc) =	sbr.rel @p0 .LBB2_1-.Ltmp1, $4  }
0x19: {  	[hbm4b:s5+s2] =	stream.linear.scatter [tilespmem:s7], [sflag:$0x1], $0x2710, $0x38;
	[tilespmem:$0x4F00] =	vst v63  }
0x1a: {  	_ =	swait.ge [sflag:s8], $0x2710  }
0x1b: {  	[sflag:s8] =	ssyncset.done $0x0  }
0x1c: {  	[sflag:s8] =	ssyncadd.s32 $0xFFFFD8F0  }
0x1d: {  	_ =	sfence.sel $0x180000  }
0x1e: {  	[bflag:$0x0] =	sbarrier.arrive $0xFFFF  }
0x1f: {  	p0 =	sne.s32 s1, $0x0;
	_ =	strace $0x90000047  }
0x20: {  	s0 =	sadd.s32 @!p0 $0x100000, s0;
	[bflag:$0x2] =	sbarrier.arrive $0xFFFF  }
0x21: {  	[sflag:s0] =	ssyncadd.tile.s32 @!p0 $0x1;
	_ =	shalt  }
.Lfunc_end2:
_tile_overlayer_lowered:
.L_overlay_start_2:
0x22: {  	(tag) =	ssettag $0x2  }
0x23: {  	s0 =	rddreg [dreg:$0x0];
	s2 =	stileid.u32  }
0x24: {  	s1 =	rddreg [dreg:$0x1];
	p0 =	sne.s32 s2, $0x0  }
0x25: {  	s3 =	rddreg [dreg:$0x2];
	[bflag:$0x3] =	sbarrier.arrive $0xFFFF;
	s2 =	simm.s32 @!p0 $0x1C01  }
0x26: {  	[timem:s3], [sflag:s2] =	dma.local @!p0 [hbm:s0], s1  }
0x27: {  	s0 =	simm.s32 @!p0 $0x1  }
0x28: {  	_ =	swait.ge @!p0 [sflag:s0], s1  }
0x29: {  	s1 =	ssub.s32 @!p0 $0x0, s1;
	[sflag:s0] =	ssyncset.done @!p0 $0x0  }
0x2a: {  	[sflag:s0] =	ssyncadd.s32 @!p0 s1  }
0x2b: {  	[bflag:$0x3] =	sbarrier.arrive $0xFFFF  }
0x2c: {  	_ =	shalt  }

</sc_bundles>
